<compile_context>
chip_gen: v7x
topology: tpu7x:2x2x1
jax: 0.10.2.dev20260603
libtpu: 0.0.44.dev20260713+nightly
codegen_flags: <defaults>
</compile_context>

<pallas_src>
import functools

import jax
import jax.numpy as jnp
from jax import lax
from jax.experimental import pallas as pl
from jax.experimental.pallas import tpu as pltpu
from jax.experimental.pallas import tpu_sc as plsc

_VOCAB = 100000
_MAXLEN = 200
_EMBED_DIM = 64
_BATCH = 4096

_NC = 2
_NS = 16
_NW = _NC * _NS
_TOTAL = _BATCH * _MAXLEN
_ROWS_PER_W = _TOTAL // _NW
_CH = 128
_CPW = _ROWS_PER_W // _CH


@functools.partial(
    pl.kernel,
    mesh=plsc.VectorSubcoreMesh(core_axis_name="c", subcore_axis_name="s"),
    out_type=jax.ShapeDtypeStruct((_TOTAL, _EMBED_DIM), jnp.float32),
    scratch_types=[
        pltpu.VMEM((_CPW, _CH), jnp.int32),
        pltpu.VMEM((2, _CH, 2 * _EMBED_DIM), jnp.float32),
        pltpu.VMEM((2, _CH, _EMBED_DIM), jnp.float32),
        pltpu.SemaphoreType.DMA,
        pltpu.SemaphoreType.DMA,
        pltpu.SemaphoreType.DMA,
        pltpu.SemaphoreType.DMA,
    ],
    compiler_params=pltpu.CompilerParams(use_tc_tiling_on_sc=True),
)
def _gather_kernel(idx_hbm, table_hbm, out_hbm, idx_v, rows_v, rows64_v,
                   g0, g1, w0, w1):
    wid = lax.axis_index("s") * _NC + lax.axis_index("c")
    base = wid * _ROWS_PER_W
    gsems = (g0, g1)
    wsems = (w0, w1)

    pltpu.sync_copy(idx_hbm.at[wid], idx_v)

    def fire_gather(j, p):
        pltpu.async_copy(table_hbm.at[idx_v.at[j]], rows_v.at[p], gsems[p])

    def drain_gather(p):
        pltpu.make_async_copy(
            table_hbm.at[pl.ds(0, _CH)], rows_v.at[p], gsems[p]
        ).wait()

    def fire_write(j, p):
        pltpu.async_copy(
            rows64_v.at[p], out_hbm.at[pl.ds(base + j * _CH, _CH)], wsems[p]
        )

    def drain_write(p):
        pltpu.make_async_copy(
            rows64_v.at[p], out_hbm.at[pl.ds(0, _CH)], wsems[p]
        ).wait()

    def repack(p):
        def block(rb, c2):
            for rr in range(8):
                r = rb * 8 + rr
                for k in range(_EMBED_DIM // 16):
                    rows64_v[p, r, pl.ds(k * 16, 16)] = (
                        rows_v[p, r, pl.ds(k * 16, 16)]
                    )
            return c2

        lax.fori_loop(0, _CH // 8, block, 0)

    fire_gather(0, 0)
    fire_gather(1, 1)

    def outer(i, carry):
        for par in range(2):
            j = 2 * i + par
            drain_gather(par)

            @pl.when(j >= 2)
            def _():
                drain_write(par)

            repack(par)

            @pl.when(j + 2 < _CPW)
            def _():
                fire_gather(j + 2, par)

            fire_write(j, par)
        return carry

    lax.fori_loop(0, _CPW // 2, outer, 0)
    drain_write(0)
    drain_write(1)


def kernel(x, token_table, pos_table):
    del pos_table
    idx = x.reshape(_NW, _CPW, _CH).astype(jnp.int32)
    table_pad = jnp.pad(token_table, ((0, 0), (0, _EMBED_DIM)))
    out = _gather_kernel(idx, table_pad)
    return out.reshape(_BATCH, _MAXLEN, _EMBED_DIM)

# --- scband reference (transcript-rebuilt; emitter-appended) ---
"""Pipeline reference for scband-token-and-position-embedding-83090437308804 (READ-ONLY COPY).

The authoritative reference and input builder live on the scoring server;
editing this copy changes nothing except your own understanding.
"""

import jax, jax.numpy as jnp
import numpy as np

VOCAB = 100000
MAXLEN = 200
EMBED_DIM = 64
BATCH = 4096

def setup_inputs(seed: int = 0) -> dict:
    key = jax.random.key(seed)
    k1, k2, k3 = jax.random.split(key, 3)
    x = jax.random.randint(k1, (BATCH, MAXLEN), 0, VOCAB, dtype=jnp.int64 if jax.config.jax_enable_x64 else jnp.int32)
    token_table = jax.random.normal(k2, (VOCAB, EMBED_DIM), dtype=jnp.float32) * 0.02
    pos_table = jax.random.normal(k3, (MAXLEN, EMBED_DIM), dtype=jnp.float32) * 0.02
    return {"x": x, "token_table": token_table, "pos_table": pos_table}

def reference(x, token_table, pos_table):
    # Faithful translation of TokenAndPositionEmbedding.call:
    #   maxlen = tf.shape(x)[-1]
    #   positions = tf.range(0, maxlen)
    #   positions = self.pos_emb(positions)   # computed but UNUSED in original
    #   x = self.token_emb(x)
    #   return x
    maxlen = x.shape[-1]
    positions = jnp.arange(0, maxlen)
    pos_embedded = jnp.take(pos_table, positions, axis=0)  # computed, unused (matches original bug)
    out = jnp.take(token_table, x, axis=0)
    return out

if __name__ == "__main__":
    import jax
    _d = setup_inputs()
    print(jax.jit(kernel)(*tuple(_d.values())))

</pallas_src>

<mosaic_0001>
#map = affine_map<(d0, d1) -> (0, 0, 0)>
#map1 = affine_map<(d0, d1) -> (0, 0)>
module attributes {stable_mosaic.version = 14 : i64} {
  func.func @_gather_kernel(%arg0: i32, %arg1: i32, %arg2: memref<32x200x128xi32, #tpu.memory_space<hbm>>, %arg3: memref<100000x128xf32, #tpu.memory_space<hbm>>, %arg4: memref<819200x64xf32, #tpu.memory_space<hbm>>, %arg5: memref<200x128xi32, #tpu.memory_space<vmem>>, %arg6: memref<2x128x128xf32, #tpu.memory_space<vmem>>, %arg7: memref<2x128x64xf32, #tpu.memory_space<vmem>>, %arg8: memref<!tpu.dma_semaphore, #tpu.memory_space<semaphore_mem>>, %arg9: memref<!tpu.dma_semaphore, #tpu.memory_space<semaphore_mem>>, %arg10: memref<!tpu.dma_semaphore, #tpu.memory_space<semaphore_mem>>, %arg11: memref<!tpu.dma_semaphore, #tpu.memory_space<semaphore_mem>>) attributes {dimension_semantics = [#tpu.dimension_semantics<core_parallel>, #tpu.dimension_semantics<subcore_parallel>], iteration_bounds = array<i64: 2, 16>, scalar_prefetch = 0 : i64, scratch_operands = 7 : i64, tpu.core_type = #tpu.core_type<sc_vector_subcore>, window_params = [{transform_indices = #map}, {transform_indices = #map1}, {transform_indices = #map1}]} {
    %mul3A = arith.constant 2 : i32
    %mul3A_0 = arith.muli %arg1, %mul3A : i32
    %add3A = arith.addi %mul3A_0, %arg0 : i32
    %mul3A_1 = arith.constant 25600 : i32
    %mul3A_2 = arith.muli %add3A, %mul3A_1 : i32
    "tpu.region"() ({
      %run_scoped3A = tpu.sem_alloc : memref<!tpu.dma_semaphore, #tpu.memory_space<semaphore_mem>>
      %dma_start3A_60 = arith.constant 0 : i32
      %dma_start3A_61 = arith.constant 0 : i32
      %dma_start3A_62 = tpu.memref_slice %arg2[%add3A, %dma_start3A_60, %dma_start3A_61] : memref<32x200x128xi32, #tpu.memory_space<hbm>> -> memref<1x200x128xi32, #tpu.memory_space<hbm>>
      %dma_start3A_63 = tpu.memref_squeeze %dma_start3A_62 : memref<1x200x128xi32, #tpu.memory_space<hbm>> -> memref<200x128xi32, #tpu.memory_space<hbm>>
      %dma_start3A_64 = arith.constant 0 : i32
      %dma_start3A_65 = arith.constant 0 : i32
      %dma_start3A_66 = tpu.memref_slice %arg2[%add3A, %dma_start3A_64, %dma_start3A_65] : memref<32x200x128xi32, #tpu.memory_space<hbm>> -> memref<1x200x128xi32, #tpu.memory_space<hbm>>
      %dma_start3A_67 = tpu.memref_squeeze %dma_start3A_66 : memref<1x200x128xi32, #tpu.memory_space<hbm>> -> memref<200x128xi32, #tpu.memory_space<hbm>>
      tpu.enqueue_dma source(%dma_start3A_67 : memref<200x128xi32, #tpu.memory_space<hbm>>) target(%arg5 : memref<200x128xi32, #tpu.memory_space<vmem>>) target_semaphore(%run_scoped3A : memref<!tpu.dma_semaphore, #tpu.memory_space<semaphore_mem>>)
      %dma_wait3A_68 = arith.constant 0 : i32
      %dma_wait3A_69 = arith.constant 0 : i32
      %dma_wait3A_70 = tpu.memref_slice %arg2[%add3A, %dma_wait3A_68, %dma_wait3A_69] : memref<32x200x128xi32, #tpu.memory_space<hbm>> -> memref<1x200x128xi32, #tpu.memory_space<hbm>>
      %dma_wait3A_71 = tpu.memref_squeeze %dma_wait3A_70 : memref<1x200x128xi32, #tpu.memory_space<hbm>> -> memref<200x128xi32, #tpu.memory_space<hbm>>
      %dma_wait3A_72 = arith.constant 0 : i32
      %dma_wait3A_73 = arith.constant 0 : i32
      %dma_wait3A_74 = tpu.memref_slice %arg2[%add3A, %dma_wait3A_72, %dma_wait3A_73] : memref<32x200x128xi32, #tpu.memory_space<hbm>> -> memref<1x200x128xi32, #tpu.memory_space<hbm>>
      %dma_wait3A_75 = tpu.memref_squeeze %dma_wait3A_74 : memref<1x200x128xi32, #tpu.memory_space<hbm>> -> memref<200x128xi32, #tpu.memory_space<hbm>>
      tpu.wait_dma2 semaphore(%run_scoped3A : memref<!tpu.dma_semaphore, #tpu.memory_space<semaphore_mem>>) src(%dma_wait3A_75 : memref<200x128xi32, #tpu.memory_space<hbm>>) dst(%arg5 : memref<200x128xi32, #tpu.memory_space<vmem>>)
      tpu.yield
    }) : () -> ()
    %dma_start3A = arith.constant 0 : i32
    %dma_start3A_3 = arith.constant 0 : i32
    %dma_start3A_4 = arith.constant 0 : i32
    %dma_start3A_5 = arith.constant 0 : i32
    %dma_start3A_6 = tpu.memref_slice %arg6[%dma_start3A_3, %dma_start3A_4, %dma_start3A_5] : memref<2x128x128xf32, #tpu.memory_space<vmem>> -> memref<1x128x128xf32, #tpu.memory_space<vmem>>
    %dma_start3A_7 = tpu.memref_squeeze %dma_start3A_6 : memref<1x128x128xf32, #tpu.memory_space<vmem>> -> memref<128x128xf32, #tpu.memory_space<vmem>>
    %dma_start3A_8 = arith.constant 0 : i32
    %dma_start3A_9 = tpu.memref_slice %arg5[%dma_start3A, %dma_start3A_8] : memref<200x128xi32, #tpu.memory_space<vmem>> -> memref<1x128xi32, #tpu.memory_space<vmem>>
    %dma_start3A_10 = tpu.memref_squeeze %dma_start3A_9 : memref<1x128xi32, #tpu.memory_space<vmem>> -> memref<128xi32, #tpu.memory_space<vmem>>
    %dma_start3A_11 = arith.constant 0 : i32
    %dma_start3A_12 = arith.constant 0 : i32
    %dma_start3A_13 = tpu.memref_slice %arg3[%dma_start3A_11, %dma_start3A_12] : memref<100000x128xf32, #tpu.memory_space<hbm>> -> memref<100000x128xf32, #tpu.memory_space<hbm>>
    tpu.enqueue_indirect_dma source(%dma_start3A_13 : memref<100000x128xf32, #tpu.memory_space<hbm>>) target(%dma_start3A_7 : memref<128x128xf32, #tpu.memory_space<vmem>>) offsets(%dma_start3A_10 : memref<128xi32, #tpu.memory_space<vmem>>) semaphore(%arg8 : memref<!tpu.dma_semaphore, #tpu.memory_space<semaphore_mem>>)
    %dma_start3A_14 = arith.constant 1 : i32
    %dma_start3A_15 = arith.constant 1 : i32
    %dma_start3A_16 = arith.constant 0 : i32
    %dma_start3A_17 = arith.constant 0 : i32
    %dma_start3A_18 = tpu.memref_slice %arg6[%dma_start3A_15, %dma_start3A_16, %dma_start3A_17] : memref<2x128x128xf32, #tpu.memory_space<vmem>> -> memref<1x128x128xf32, #tpu.memory_space<vmem>>
    %dma_start3A_19 = tpu.memref_squeeze %dma_start3A_18 : memref<1x128x128xf32, #tpu.memory_space<vmem>> -> memref<128x128xf32, #tpu.memory_space<vmem>>
    %dma_start3A_20 = arith.constant 0 : i32
    %dma_start3A_21 = tpu.memref_slice %arg5[%dma_start3A_14, %dma_start3A_20] : memref<200x128xi32, #tpu.memory_space<vmem>> -> memref<1x128xi32, #tpu.memory_space<vmem>>
    %dma_start3A_22 = tpu.memref_squeeze %dma_start3A_21 : memref<1x128xi32, #tpu.memory_space<vmem>> -> memref<128xi32, #tpu.memory_space<vmem>>
    %dma_start3A_23 = arith.constant 0 : i32
    %dma_start3A_24 = arith.constant 0 : i32
    %dma_start3A_25 = tpu.memref_slice %arg3[%dma_start3A_23, %dma_start3A_24] : memref<100000x128xf32, #tpu.memory_space<hbm>> -> memref<100000x128xf32, #tpu.memory_space<hbm>>
    tpu.enqueue_indirect_dma source(%dma_start3A_25 : memref<100000x128xf32, #tpu.memory_space<hbm>>) target(%dma_start3A_19 : memref<128x128xf32, #tpu.memory_space<vmem>>) offsets(%dma_start3A_22 : memref<128xi32, #tpu.memory_space<vmem>>) semaphore(%arg9 : memref<!tpu.dma_semaphore, #tpu.memory_space<semaphore_mem>>)
    %scan3A = arith.constant 0 : i32
    %scan3A_26 = arith.constant 0 : i32
    %scan3A_27 = arith.constant 100 : i32
    %scan3A_28 = arith.addi %scan3A_26, %scan3A_27 : i32
    %scan3A_29 = arith.constant 1 : i32
    scf.for %scan3A_60 = %scan3A_26 to %scan3A_28 step %scan3A_29  : i32 {
      %mul3A_61 = arith.constant 2 : i32
      %mul3A_62 = arith.muli %mul3A_61, %scan3A_60 : i32
      %add3A_63 = arith.constant 0 : i32
      %add3A_64 = arith.addi %mul3A_62, %add3A_63 : i32
      %dma_wait3A_65 = arith.constant 0 : i32
      %dma_wait3A_66 = arith.constant 0 : i32
      %dma_wait3A_67 = arith.constant 0 : i32
      %dma_wait3A_68 = tpu.memref_slice %arg6[%dma_wait3A_65, %dma_wait3A_66, %dma_wait3A_67] : memref<2x128x128xf32, #tpu.memory_space<vmem>> -> memref<1x128x128xf32, #tpu.memory_space<vmem>>
      %dma_wait3A_69 = tpu.memref_squeeze %dma_wait3A_68 : memref<1x128x128xf32, #tpu.memory_space<vmem>> -> memref<128x128xf32, #tpu.memory_space<vmem>>
      %dma_wait3A_70 = arith.constant 0 : i32
      %dma_wait3A_71 = arith.constant 0 : i32
      %dma_wait3A_72 = tpu.memref_slice %arg3[%dma_wait3A_70, %dma_wait3A_71] : memref<100000x128xf32, #tpu.memory_space<hbm>> -> memref<128x128xf32, #tpu.memory_space<hbm>>
      %dma_wait3A_73 = arith.constant 0 : i32
      %dma_wait3A_74 = arith.constant 0 : i32
      %dma_wait3A_75 = tpu.memref_slice %arg6[%dma_wait3A_65, %dma_wait3A_73, %dma_wait3A_74] : memref<2x128x128xf32, #tpu.memory_space<vmem>> -> memref<1x128x128xf32, #tpu.memory_space<vmem>>
      %dma_wait3A_76 = tpu.memref_squeeze %dma_wait3A_75 : memref<1x128x128xf32, #tpu.memory_space<vmem>> -> memref<128x128xf32, #tpu.memory_space<vmem>>
      %dma_wait3A_77 = arith.constant 0 : i32
      %dma_wait3A_78 = arith.constant 0 : i32
      %dma_wait3A_79 = tpu.memref_slice %arg3[%dma_wait3A_77, %dma_wait3A_78] : memref<100000x128xf32, #tpu.memory_space<hbm>> -> memref<128x128xf32, #tpu.memory_space<hbm>>
      tpu.wait_dma2 semaphore(%arg8 : memref<!tpu.dma_semaphore, #tpu.memory_space<semaphore_mem>>) src(%dma_wait3A_79 : memref<128x128xf32, #tpu.memory_space<hbm>>) dst(%dma_wait3A_76 : memref<128x128xf32, #tpu.memory_space<vmem>>)
      %ge3A = arith.constant 2 : i32
      %ge3A_80 = arith.cmpi sge, %add3A_64, %ge3A : i32
      %convert_element_type3A = arith.extui %ge3A_80 : i1 to i32
      %cond3A = arith.constant 0 : i32
      %cond3A_81 = arith.cmpi ne, %convert_element_type3A, %cond3A : i32
      scf.if %cond3A_81 {
        %dma_wait3A_163 = arith.constant 0 : i32
        %dma_wait3A_164 = arith.constant 0 : i32
        %dma_wait3A_165 = arith.constant 0 : i32
        %dma_wait3A_166 = tpu.memref_slice %arg7[%dma_wait3A_163, %dma_wait3A_164, %dma_wait3A_165] : memref<2x128x64xf32, #tpu.memory_space<vmem>> -> memref<1x128x64xf32, #tpu.memory_space<vmem>>
        %dma_wait3A_167 = tpu.memref_squeeze %dma_wait3A_166 : memref<1x128x64xf32, #tpu.memory_space<vmem>> -> memref<128x64xf32, #tpu.memory_space<vmem>>
        %dma_wait3A_168 = arith.constant 0 : i32
        %dma_wait3A_169 = arith.constant 0 : i32
        %dma_wait3A_170 = tpu.memref_slice %arg4[%dma_wait3A_168, %dma_wait3A_169] : memref<819200x64xf32, #tpu.memory_space<hbm>> -> memref<128x64xf32, #tpu.memory_space<hbm>>
        %dma_wait3A_171 = arith.constant 0 : i32
        %dma_wait3A_172 = arith.constant 0 : i32
        %dma_wait3A_173 = tpu.memref_slice %arg4[%dma_wait3A_171, %dma_wait3A_172] : memref<819200x64xf32, #tpu.memory_space<hbm>> -> memref<128x64xf32, #tpu.memory_space<hbm>>
        %dma_wait3A_174 = arith.constant 0 : i32
        %dma_wait3A_175 = arith.constant 0 : i32
        %dma_wait3A_176 = tpu.memref_slice %arg7[%dma_wait3A_163, %dma_wait3A_174, %dma_wait3A_175] : memref<2x128x64xf32, #tpu.memory_space<vmem>> -> memref<1x128x64xf32, #tpu.memory_space<vmem>>
        %dma_wait3A_177 = tpu.memref_squeeze %dma_wait3A_176 : memref<1x128x64xf32, #tpu.memory_space<vmem>> -> memref<128x64xf32, #tpu.memory_space<vmem>>
        tpu.wait_dma2 semaphore(%arg10 : memref<!tpu.dma_semaphore, #tpu.memory_space<semaphore_mem>>) src(%dma_wait3A_177 : memref<128x64xf32, #tpu.memory_space<vmem>>) dst(%dma_wait3A_173 : memref<128x64xf32, #tpu.memory_space<hbm>>)
      } else {
      }
      %scan3A_82 = arith.constant 0 : i32
      %scan3A_83 = arith.constant 0 : i32
      %scan3A_84 = arith.constant 16 : i32
      %scan3A_85 = arith.addi %scan3A_83, %scan3A_84 : i32
      %scan3A_86 = arith.constant 1 : i32
      scf.for %scan3A_163 = %scan3A_83 to %scan3A_85 step %scan3A_86  : i32 {
        %mul3A_164 = arith.constant 8 : i32
        %mul3A_165 = arith.muli %scan3A_163, %mul3A_164 : i32
        %add3A_166 = arith.constant 0 : i32
        %add3A_167 = arith.addi %mul3A_165, %add3A_166 : i32
        %get3A = arith.constant 0 : i32
        %get3A_168 = arith.index_cast %get3A : i32 to index
        %get3A_169 = arith.index_cast %add3A_167 : i32 to index
        %get3A_170 = arith.constant 0 : index
        %get3A_171 = tpu.vector_load %arg6[%get3A_168, %get3A_169, %get3A_170] {strides = array<i32>} : memref<2x128x128xf32, #tpu.memory_space<vmem>>, vector<1x1x16xf32>,
        %get3A_172 = vector.shape_cast %get3A_171 : vector<1x1x16xf32> to vector<16xf32>
        %swap3A = arith.constant 0 : i32
        %swap3A_173 = arith.index_cast %swap3A : i32 to index
        %swap3A_174 = arith.index_cast %add3A_167 : i32 to index
        %swap3A_175 = arith.constant 0 : index
        %swap3A_176 = tpu.vector_load %arg7[%swap3A_173, %swap3A_174, %swap3A_175] {strides = array<i32>} : memref<2x128x64xf32, #tpu.memory_space<vmem>>, vector<1x1x16xf32>,
        %swap3A_177 = vector.shape_cast %swap3A_176 : vector<1x1x16xf32> to vector<16xf32>
        %swap3A_178 = vector.shape_cast %get3A_172 : vector<16xf32> to vector<1x1x16xf32>
        tpu.vector_store %arg7[%swap3A_173, %swap3A_174, %swap3A_175], %swap3A_178 {strides = array<i32>} : memref<2x128x64xf32, #tpu.memory_space<vmem>>, vector<1x1x16xf32>,
        %get3A_179 = arith.constant 0 : i32
        %get3A_180 = arith.index_cast %get3A_179 : i32 to index
        %get3A_181 = arith.index_cast %add3A_167 : i32 to index
        %get3A_182 = arith.constant 16 : index
        %get3A_183 = tpu.vector_load %arg6[%get3A_180, %get3A_181, %get3A_182] {strides = array<i32>} : memref<2x128x128xf32, #tpu.memory_space<vmem>>, vector<1x1x16xf32>,
        %get3A_184 = vector.shape_cast %get3A_183 : vector<1x1x16xf32> to vector<16xf32>
        %swap3A_185 = arith.constant 0 : i32
        %swap3A_186 = arith.index_cast %swap3A_185 : i32 to index
        %swap3A_187 = arith.index_cast %add3A_167 : i32 to index
        %swap3A_188 = arith.constant 16 : index
        %swap3A_189 = tpu.vector_load %arg7[%swap3A_186, %swap3A_187, %swap3A_188] {strides = array<i32>} : memref<2x128x64xf32, #tpu.memory_space<vmem>>, vector<1x1x16xf32>,
        %swap3A_190 = vector.shape_cast %swap3A_189 : vector<1x1x16xf32> to vector<16xf32>
        %swap3A_191 = vector.shape_cast %get3A_184 : vector<16xf32> to vector<1x1x16xf32>
        tpu.vector_store %arg7[%swap3A_186, %swap3A_187, %swap3A_188], %swap3A_191 {strides = array<i32>} : memref<2x128x64xf32, #tpu.memory_space<vmem>>, vector<1x1x16xf32>,
        %get3A_192 = arith.constant 0 : i32
        %get3A_193 = arith.index_cast %get3A_192 : i32 to index
        %get3A_194 = arith.index_cast %add3A_167 : i32 to index
        %get3A_195 = arith.constant 32 : index
        %get3A_196 = tpu.vector_load %arg6[%get3A_193, %get3A_194, %get3A_195] {strides = array<i32>} : memref<2x128x128xf32, #tpu.memory_space<vmem>>, vector<1x1x16xf32>,
        %get3A_197 = vector.shape_cast %get3A_196 : vector<1x1x16xf32> to vector<16xf32>
        %swap3A_198 = arith.constant 0 : i32
        %swap3A_199 = arith.index_cast %swap3A_198 : i32 to index
        %swap3A_200 = arith.index_cast %add3A_167 : i32 to index
        %swap3A_201 = arith.constant 32 : index
        %swap3A_202 = tpu.vector_load %arg7[%swap3A_199, %swap3A_200, %swap3A_201] {strides = array<i32>} : memref<2x128x64xf32, #tpu.memory_space<vmem>>, vector<1x1x16xf32>,
        %swap3A_203 = vector.shape_cast %swap3A_202 : vector<1x1x16xf32> to vector<16xf32>
        %swap3A_204 = vector.shape_cast %get3A_197 : vector<16xf32> to vector<1x1x16xf32>
        tpu.vector_store %arg7[%swap3A_199, %swap3A_200, %swap3A_201], %swap3A_204 {strides = array<i32>} : memref<2x128x64xf32, #tpu.memory_space<vmem>>, vector<1x1x16xf32>,
        %get3A_205 = arith.constant 0 : i32
        %get3A_206 = arith.index_cast %get3A_205 : i32 to index
        %get3A_207 = arith.index_cast %add3A_167 : i32 to index
        %get3A_208 = arith.constant 48 : index
        %get3A_209 = tpu.vector_load %arg6[%get3A_206, %get3A_207, %get3A_208] {strides = array<i32>} : memref<2x128x128xf32, #tpu.memory_space<vmem>>, vector<1x1x16xf32>,
        %get3A_210 = vector.shape_cast %get3A_209 : vector<1x1x16xf32> to vector<16xf32>
        %swap3A_211 = arith.constant 0 : i32
        %swap3A_212 = arith.index_cast %swap3A_211 : i32 to index
        %swap3A_213 = arith.index_cast %add3A_167 : i32 to index
        %swap3A_214 = arith.constant 48 : index
        %swap3A_215 = tpu.vector_load %arg7[%swap3A_212, %swap3A_213, %swap3A_214] {strides = array<i32>} : memref<2x128x64xf32, #tpu.memory_space<vmem>>, vector<1x1x16xf32>,
        %swap3A_216 = vector.shape_cast %swap3A_215 : vector<1x1x16xf32> to vector<16xf32>
        %swap3A_217 = vector.shape_cast %get3A_210 : vector<16xf32> to vector<1x1x16xf32>
        tpu.vector_store %arg7[%swap3A_212, %swap3A_213, %swap3A_214], %swap3A_217 {strides = array<i32>} : memref<2x128x64xf32, #tpu.memory_space<vmem>>, vector<1x1x16xf32>,
        %mul3A_218 = arith.constant 8 : i32
        %mul3A_219 = arith.muli %scan3A_163, %mul3A_218 : i32
        %add3A_220 = arith.constant 1 : i32
        %add3A_221 = arith.addi %mul3A_219, %add3A_220 : i32
        %get3A_222 = arith.constant 0 : i32
        %get3A_223 = arith.index_cast %get3A_222 : i32 to index
        %get3A_224 = arith.index_cast %add3A_221 : i32 to index
        %get3A_225 = arith.constant 0 : index
        %get3A_226 = tpu.vector_load %arg6[%get3A_223, %get3A_224, %get3A_225] {strides = array<i32>} : memref<2x128x128xf32, #tpu.memory_space<vmem>>, vector<1x1x16xf32>,
        %get3A_227 = vector.shape_cast %get3A_226 : vector<1x1x16xf32> to vector<16xf32>
        %swap3A_228 = arith.constant 0 : i32
        %swap3A_229 = arith.index_cast %swap3A_228 : i32 to index
        %swap3A_230 = arith.index_cast %add3A_221 : i32 to index
        %swap3A_231 = arith.constant 0 : index
        %swap3A_232 = tpu.vector_load %arg7[%swap3A_229, %swap3A_230, %swap3A_231] {strides = array<i32>} : memref<2x128x64xf32, #tpu.memory_space<vmem>>, vector<1x1x16xf32>,
        %swap3A_233 = vector.shape_cast %swap3A_232 : vector<1x1x16xf32> to vector<16xf32>
        %swap3A_234 = vector.shape_cast %get3A_227 : vector<16xf32> to vector<1x1x16xf32>
        tpu.vector_store %arg7[%swap3A_229, %swap3A_230, %swap3A_231], %swap3A_234 {strides = array<i32>} : memref<2x128x64xf32, #tpu.memory_space<vmem>>, vector<1x1x16xf32>,
        %get3A_235 = arith.constant 0 : i32
        %get3A_236 = arith.index_cast %get3A_235 : i32 to index
        %get3A_237 = arith.index_cast %add3A_221 : i32 to index
        %get3A_238 = arith.constant 16 : index
        %get3A_239 = tpu.vector_load %arg6[%get3A_236, %get3A_237, %get3A_238] {strides = array<i32>} : memref<2x128x128xf32, #tpu.memory_space<vmem>>, vector<1x1x16xf32>,
        %get3A_240 = vector.shape_cast %get3A_239 : vector<1x1x16xf32> to vector<16xf32>
        %swap3A_241 = arith.constant 0 : i32
        %swap3A_242 = arith.index_cast %swap3A_241 : i32 to index
        %swap3A_243 = arith.index_cast %add3A_221 : i32 to index
        %swap3A_244 = arith.constant 16 : index
        %swap3A_245 = tpu.vector_load %arg7[%swap3A_242, %swap3A_243, %swap3A_244] {strides = array<i32>} : memref<2x128x64xf32, #tpu.memory_space<vmem>>, vector<1x1x16xf32>,
        %swap3A_246 = vector.shape_cast %swap3A_245 : vector<1x1x16xf32> to vector<16xf32>
        %swap3A_247 = vector.shape_cast %get3A_240 : vector<16xf32> to vector<1x1x16xf32>
        tpu.vector_store %arg7[%swap3A_242, %swap3A_243, %swap3A_244], %swap3A_247 {strides = array<i32>} : memref<2x128x64xf32, #tpu.memory_space<vmem>>, vector<1x1x16xf32>,
        %get3A_248 = arith.constant 0 : i32
        %get3A_249 = arith.index_cast %get3A_248 : i32 to index
        %get3A_250 = arith.index_cast %add3A_221 : i32 to index
        %get3A_251 = arith.constant 32 : index
        %get3A_252 = tpu.vector_load %arg6[%get3A_249, %get3A_250, %get3A_251] {strides = array<i32>} : memref<2x128x128xf32, #tpu.memory_space<vmem>>, vector<1x1x16xf32>,
        %get3A_253 = vector.shape_cast %get3A_252 : vector<1x1x16xf32> to vector<16xf32>
        %swap3A_254 = arith.constant 0 : i32
        %swap3A_255 = arith.index_cast %swap3A_254 : i32 to index
        %swap3A_256 = arith.index_cast %add3A_221 : i32 to index
        %swap3A_257 = arith.constant 32 : index
        %swap3A_258 = tpu.vector_load %arg7[%swap3A_255, %swap3A_256, %swap3A_257] {strides = array<i32>} : memref<2x128x64xf32, #tpu.memory_space<vmem>>, vector<1x1x16xf32>,
        %swap3A_259 = vector.shape_cast %swap3A_258 : vector<1x1x16xf32> to vector<16xf32>
        %swap3A_260 = vector.shape_cast %get3A_253 : vector<16xf32> to vector<1x1x16xf32>
        tpu.vector_store %arg7[%swap3A_255, %swap3A_256, %swap3A_257], %swap3A_260 {strides = array<i32>} : memref<2x128x64xf32, #tpu.memory_space<vmem>>, vector<1x1x16xf32>,
        %get3A_261 = arith.constant 0 : i32
        %get3A_262 = arith.index_cast %get3A_261 : i32 to index
        %get3A_263 = arith.index_cast %add3A_221 : i32 to index
        %get3A_264 = arith.constant 48 : index
        %get3A_265 = tpu.vector_load %arg6[%get3A_262, %get3A_263, %get3A_264] {strides = array<i32>} : memref<2x128x128xf32, #tpu.memory_space<vmem>>, vector<1x1x16xf32>,
        %get3A_266 = vector.shape_cast %get3A_265 : vector<1x1x16xf32> to vector<16xf32>
        %swap3A_267 = arith.constant 0 : i32
        %swap3A_268 = arith.index_cast %swap3A_267 : i32 to index
        %swap3A_269 = arith.index_cast %add3A_221 : i32 to index
        %swap3A_270 = arith.constant 48 : index
        %swap3A_271 = tpu.vector_load %arg7[%swap3A_268, %swap3A_269, %swap3A_270] {strides = array<i32>} : memref<2x128x64xf32, #tpu.memory_space<vmem>>, vector<1x1x16xf32>,
        %swap3A_272 = vector.shape_cast %swap3A_271 : vector<1x1x16xf32> to vector<16xf32>
        %swap3A_273 = vector.shape_cast %get3A_266 : vector<16xf32> to vector<1x1x16xf32>
        tpu.vector_store %arg7[%swap3A_268, %swap3A_269, %swap3A_270], %swap3A_273 {strides = array<i32>} : memref<2x128x64xf32, #tpu.memory_space<vmem>>, vector<1x1x16xf32>,
        %mul3A_274 = arith.constant 8 : i32
        %mul3A_275 = arith.muli %scan3A_163, %mul3A_274 : i32
        %add3A_276 = arith.constant 2 : i32
        %add3A_277 = arith.addi %mul3A_275, %add3A_276 : i32
        %get3A_278 = arith.constant 0 : i32
        %get3A_279 = arith.index_cast %get3A_278 : i32 to index
        %get3A_280 = arith.index_cast %add3A_277 : i32 to index
        %get3A_281 = arith.constant 0 : index
        %get3A_282 = tpu.vector_load %arg6[%get3A_279, %get3A_280, %get3A_281] {strides = array<i32>} : memref<2x128x128xf32, #tpu.memory_space<vmem>>, vector<1x1x16xf32>,
        %get3A_283 = vector.shape_cast %get3A_282 : vector<1x1x16xf32> to vector<16xf32>
        %swap3A_284 = arith.constant 0 : i32
        %swap3A_285 = arith.index_cast %swap3A_284 : i32 to index
        %swap3A_286 = arith.index_cast %add3A_277 : i32 to index
        %swap3A_287 = arith.constant 0 : index
        %swap3A_288 = tpu.vector_load %arg7[%swap3A_285, %swap3A_286, %swap3A_287] {strides = array<i32>} : memref<2x128x64xf32, #tpu.memory_space<vmem>>, vector<1x1x16xf32>,
        %swap3A_289 = vector.shape_cast %swap3A_288 : vector<1x1x16xf32> to vector<16xf32>
        %swap3A_290 = vector.shape_cast %get3A_283 : vector<16xf32> to vector<1x1x16xf32>
        tpu.vector_store %arg7[%swap3A_285, %swap3A_286, %swap3A_287], %swap3A_290 {strides = array<i32>} : memref<2x128x64xf32, #tpu.memory_space<vmem>>, vector<1x1x16xf32>,
        %get3A_291 = arith.constant 0 : i32
        %get3A_292 = arith.index_cast %get3A_291 : i32 to index
        %get3A_293 = arith.index_cast %add3A_277 : i32 to index
        %get3A_294 = arith.constant 16 : index
        %get3A_295 = tpu.vector_load %arg6[%get3A_292, %get3A_293, %get3A_294] {strides = array<i32>} : memref<2x128x128xf32, #tpu.memory_space<vmem>>, vector<1x1x16xf32>,
        %get3A_296 = vector.shape_cast %get3A_295 : vector<1x1x16xf32> to vector<16xf32>
        %swap3A_297 = arith.constant 0 : i32
        %swap3A_298 = arith.index_cast %swap3A_297 : i32 to index
        %swap3A_299 = arith.index_cast %add3A_277 : i32 to index
        %swap3A_300 = arith.constant 16 : index
        %swap3A_301 = tpu.vector_load %arg7[%swap3A_298, %swap3A_299, %swap3A_300] {strides = array<i32>} : memref<2x128x64xf32, #tpu.memory_space<vmem>>, vector<1x1x16xf32>,
        %swap3A_302 = vector.shape_cast %swap3A_301 : vector<1x1x16xf32> to vector<16xf32>
        %swap3A_303 = vector.shape_cast %get3A_296 : vector<16xf32> to vector<1x1x16xf32>
        tpu.vector_store %arg7[%swap3A_298, %swap3A_299, %swap3A_300], %swap3A_303 {strides = array<i32>} : memref<2x128x64xf32, #tpu.memory_space<vmem>>, vector<1x1x16xf32>,
        %get3A_304 = arith.constant 0 : i32
        %get3A_305 = arith.index_cast %get3A_304 : i32 to index
        %get3A_306 = arith.index_cast %add3A_277 : i32 to index
        %get3A_307 = arith.constant 32 : index
        %get3A_308 = tpu.vector_load %arg6[%get3A_305, %get3A_306, %get3A_307] {strides = array<i32>} : memref<2x128x128xf32, #tpu.memory_space<vmem>>, vector<1x1x16xf32>,
        %get3A_309 = vector.shape_cast %get3A_308 : vector<1x1x16xf32> to vector<16xf32>
        %swap3A_310 = arith.constant 0 : i32
        %swap3A_311 = arith.index_cast %swap3A_310 : i32 to index
        %swap3A_312 = arith.index_cast %add3A_277 : i32 to index
        %swap3A_313 = arith.constant 32 : index
        %swap3A_314 = tpu.vector_load %arg7[%swap3A_311, %swap3A_312, %swap3A_313] {strides = array<i32>} : memref<2x128x64xf32, #tpu.memory_space<vmem>>, vector<1x1x16xf32>,
        %swap3A_315 = vector.shape_cast %swap3A_314 : vector<1x1x16xf32> to vector<16xf32>
        %swap3A_316 = vector.shape_cast %get3A_309 : vector<16xf32> to vector<1x1x16xf32>
        tpu.vector_store %arg7[%swap3A_311, %swap3A_312, %swap3A_313], %swap3A_316 {strides = array<i32>} : memref<2x128x64xf32, #tpu.memory_space<vmem>>, vector<1x1x16xf32>,
        %get3A_317 = arith.constant 0 : i32
        %get3A_318 = arith.index_cast %get3A_317 : i32 to index
        %get3A_319 = arith.index_cast %add3A_277 : i32 to index
        %get3A_320 = arith.constant 48 : index
        %get3A_321 = tpu.vector_load %arg6[%get3A_318, %get3A_319, %get3A_320] {strides = array<i32>} : memref<2x128x128xf32, #tpu.memory_space<vmem>>, vector<1x1x16xf32>,
        %get3A_322 = vector.shape_cast %get3A_321 : vector<1x1x16xf32> to vector<16xf32>
        %swap3A_323 = arith.constant 0 : i32
        %swap3A_324 = arith.index_cast %swap3A_323 : i32 to index
        %swap3A_325 = arith.index_cast %add3A_277 : i32 to index
        %swap3A_326 = arith.constant 48 : index
        %swap3A_327 = tpu.vector_load %arg7[%swap3A_324, %swap3A_325, %swap3A_326] {strides = array<i32>} : memref<2x128x64xf32, #tpu.memory_space<vmem>>, vector<1x1x16xf32>,
        %swap3A_328 = vector.shape_cast %swap3A_327 : vector<1x1x16xf32> to vector<16xf32>
        %swap3A_329 = vector.shape_cast %get3A_322 : vector<16xf32> to vector<1x1x16xf32>
        tpu.vector_store %arg7[%swap3A_324, %swap3A_325, %swap3A_326], %swap3A_329 {strides = array<i32>} : memref<2x128x64xf32, #tpu.memory_space<vmem>>, vector<1x1x16xf32>,
        %mul3A_330 = arith.constant 8 : i32
        %mul3A_331 = arith.muli %scan3A_163, %mul3A_330 : i32
        %add3A_332 = arith.constant 3 : i32
        %add3A_333 = arith.addi %mul3A_331, %add3A_332 : i32
        %get3A_334 = arith.constant 0 : i32
        %get3A_335 = arith.index_cast %get3A_334 : i32 to index
        %get3A_336 = arith.index_cast %add3A_333 : i32 to index
        %get3A_337 = arith.constant 0 : index
        %get3A_338 = tpu.vector_load %arg6[%get3A_335, %get3A_336, %get3A_337] {strides = array<i32>} : memref<2x128x128xf32, #tpu.memory_space<vmem>>, vector<1x1x16xf32>,
        %get3A_339 = vector.shape_cast %get3A_338 : vector<1x1x16xf32> to vector<16xf32>
        %swap3A_340 = arith.constant 0 : i32
        %swap3A_341 = arith.index_cast %swap3A_340 : i32 to index
        %swap3A_342 = arith.index_cast %add3A_333 : i32 to index
        %swap3A_343 = arith.constant 0 : index
        %swap3A_344 = tpu.vector_load %arg7[%swap3A_341, %swap3A_342, %swap3A_343] {strides = array<i32>} : memref<2x128x64xf32, #tpu.memory_space<vmem>>, vector<1x1x16xf32>,
        %swap3A_345 = vector.shape_cast %swap3A_344 : vector<1x1x16xf32> to vector<16xf32>
        %swap3A_346 = vector.shape_cast %get3A_339 : vector<16xf32> to vector<1x1x16xf32>
        tpu.vector_store %arg7[%swap3A_341, %swap3A_342, %swap3A_343], %swap3A_346 {strides = array<i32>} : memref<2x128x64xf32, #tpu.memory_space<vmem>>, vector<1x1x16xf32>,
        %get3A_347 = arith.constant 0 : i32
        %get3A_348 = arith.index_cast %get3A_347 : i32 to index
        %get3A_349 = arith.index_cast %add3A_333 : i32 to index
        %get3A_350 = arith.constant 16 : index
        %get3A_351 = tpu.vector_load %arg6[%get3A_348, %get3A_349, %get3A_350] {strides = array<i32>} : memref<2x128x128xf32, #tpu.memory_space<vmem>>, vector<1x1x16xf32>,
        %get3A_352 = vector.shape_cast %get3A_351 : vector<1x1x16xf32> to vector<16xf32>
        %swap3A_353 = arith.constant 0 : i32
        %swap3A_354 = arith.index_cast %swap3A_353 : i32 to index
        %swap3A_355 = arith.index_cast %add3A_333 : i32 to index
        %swap3A_356 = arith.constant 16 : index
        %swap3A_357 = tpu.vector_load %arg7[%swap3A_354, %swap3A_355, %swap3A_356] {strides = array<i32>} : memref<2x128x64xf32, #tpu.memory_space<vmem>>, vector<1x1x16xf32>,
        %swap3A_358 = vector.shape_cast %swap3A_357 : vector<1x1x16xf32> to vector<16xf32>
        %swap3A_359 = vector.shape_cast %get3A_352 : vector<16xf32> to vector<1x1x16xf32>
        tpu.vector_store %arg7[%swap3A_354, %swap3A_355, %swap3A_356], %swap3A_359 {strides = array<i32>} : memref<2x128x64xf32, #tpu.memory_space<vmem>>, vector<1x1x16xf32>,
        %get3A_360 = arith.constant 0 : i32
        %get3A_361 = arith.index_cast %get3A_360 : i32 to index
        %get3A_362 = arith.index_cast %add3A_333 : i32 to index
        %get3A_363 = arith.constant 32 : index
        %get3A_364 = tpu.vector_load %arg6[%get3A_361, %get3A_362, %get3A_363] {strides = array<i32>} : memref<2x128x128xf32, #tpu.memory_space<vmem>>, vector<1x1x16xf32>,
        %get3A_365 = vector.shape_cast %get3A_364 : vector<1x1x16xf32> to vector<16xf32>
        %swap3A_366 = arith.constant 0 : i32
        %swap3A_367 = arith.index_cast %swap3A_366 : i32 to index
        %swap3A_368 = arith.index_cast %add3A_333 : i32 to index
        %swap3A_369 = arith.constant 32 : index
        %swap3A_370 = tpu.vector_load %arg7[%swap3A_367, %swap3A_368, %swap3A_369] {strides = array<i32>} : memref<2x128x64xf32, #tpu.memory_space<vmem>>, vector<1x1x16xf32>,
        %swap3A_371 = vector.shape_cast %swap3A_370 : vector<1x1x16xf32> to vector<16xf32>
        %swap3A_372 = vector.shape_cast %get3A_365 : vector<16xf32> to vector<1x1x16xf32>
        tpu.vector_store %arg7[%swap3A_367, %swap3A_368, %swap3A_369], %swap3A_372 {strides = array<i32>} : memref<2x128x64xf32, #tpu.memory_space<vmem>>, vector<1x1x16xf32>,
        %get3A_373 = arith.constant 0 : i32
        %get3A_374 = arith.index_cast %get3A_373 : i32 to index
        %get3A_375 = arith.index_cast %add3A_333 : i32 to index
        %get3A_376 = arith.constant 48 : index
        %get3A_377 = tpu.vector_load %arg6[%get3A_374, %get3A_375, %get3A_376] {strides = array<i32>} : memref<2x128x128xf32, #tpu.memory_space<vmem>>, vector<1x1x16xf32>,
        %get3A_378 = vector.shape_cast %get3A_377 : vector<1x1x16xf32> to vector<16xf32>
        %swap3A_379 = arith.constant 0 : i32
        %swap3A_380 = arith.index_cast %swap3A_379 : i32 to index
        %swap3A_381 = arith.index_cast %add3A_333 : i32 to index
        %swap3A_382 = arith.constant 48 : index
        %swap3A_383 = tpu.vector_load %arg7[%swap3A_380, %swap3A_381, %swap3A_382] {strides = array<i32>} : memref<2x128x64xf32, #tpu.memory_space<vmem>>, vector<1x1x16xf32>,
        %swap3A_384 = vector.shape_cast %swap3A_383 : vector<1x1x16xf32> to vector<16xf32>
        %swap3A_385 = vector.shape_cast %get3A_378 : vector<16xf32> to vector<1x1x16xf32>
        tpu.vector_store %arg7[%swap3A_380, %swap3A_381, %swap3A_382], %swap3A_385 {strides = array<i32>} : memref<2x128x64xf32, #tpu.memory_space<vmem>>, vector<1x1x16xf32>,
        %mul3A_386 = arith.constant 8 : i32
        %mul3A_387 = arith.muli %scan3A_163, %mul3A_386 : i32
        %add3A_388 = arith.constant 4 : i32
        %add3A_389 = arith.addi %mul3A_387, %add3A_388 : i32
        %get3A_390 = arith.constant 0 : i32
        %get3A_391 = arith.index_cast %get3A_390 : i32 to index
        %get3A_392 = arith.index_cast %add3A_389 : i32 to index
        %get3A_393 = arith.constant 0 : index
        %get3A_394 = tpu.vector_load %arg6[%get3A_391, %get3A_392, %get3A_393] {strides = array<i32>} : memref<2x128x128xf32, #tpu.memory_space<vmem>>, vector<1x1x16xf32>,
        %get3A_395 = vector.shape_cast %get3A_394 : vector<1x1x16xf32> to vector<16xf32>
        %swap3A_396 = arith.constant 0 : i32
        %swap3A_397 = arith.index_cast %swap3A_396 : i32 to index
        %swap3A_398 = arith.index_cast %add3A_389 : i32 to index
        %swap3A_399 = arith.constant 0 : index
        %swap3A_400 = tpu.vector_load %arg7[%swap3A_397, %swap3A_398, %swap3A_399] {strides = array<i32>} : memref<2x128x64xf32, #tpu.memory_space<vmem>>, vector<1x1x16xf32>,
        %swap3A_401 = vector.shape_cast %swap3A_400 : vector<1x1x16xf32> to vector<16xf32>
        %swap3A_402 = vector.shape_cast %get3A_395 : vector<16xf32> to vector<1x1x16xf32>
        tpu.vector_store %arg7[%swap3A_397, %swap3A_398, %swap3A_399], %swap3A_402 {strides = array<i32>} : memref<2x128x64xf32, #tpu.memory_space<vmem>>, vector<1x1x16xf32>,
        %get3A_403 = arith.constant 0 : i32
        %get3A_404 = arith.index_cast %get3A_403 : i32 to index
        %get3A_405 = arith.index_cast %add3A_389 : i32 to index
        %get3A_406 = arith.constant 16 : index
        %get3A_407 = tpu.vector_load %arg6[%get3A_404, %get3A_405, %get3A_406] {strides = array<i32>} : memref<2x128x128xf32, #tpu.memory_space<vmem>>, vector<1x1x16xf32>,
        %get3A_408 = vector.shape_cast %get3A_407 : vector<1x1x16xf32> to vector<16xf32>
        %swap3A_409 = arith.constant 0 : i32
        %swap3A_410 = arith.index_cast %swap3A_409 : i32 to index
        %swap3A_411 = arith.index_cast %add3A_389 : i32 to index
        %swap3A_412 = arith.constant 16 : index
        %swap3A_413 = tpu.vector_load %arg7[%swap3A_410, %swap3A_411, %swap3A_412] {strides = array<i32>} : memref<2x128x64xf32, #tpu.memory_space<vmem>>, vector<1x1x16xf32>,
        %swap3A_414 = vector.shape_cast %swap3A_413 : vector<1x1x16xf32> to vector<16xf32>
        %swap3A_415 = vector.shape_cast %get3A_408 : vector<16xf32> to vector<1x1x16xf32>
        tpu.vector_store %arg7[%swap3A_410, %swap3A_411, %swap3A_412], %swap3A_415 {strides = array<i32>} : memref<2x128x64xf32, #tpu.memory_space<vmem>>, vector<1x1x16xf32>,
        %get3A_416 = arith.constant 0 : i32
        %get3A_417 = arith.index_cast %get3A_416 : i32 to index
        %get3A_418 = arith.index_cast %add3A_389 : i32 to index
        %get3A_419 = arith.constant 32 : index
        %get3A_420 = tpu.vector_load %arg6[%get3A_417, %get3A_418, %get3A_419] {strides = array<i32>} : memref<2x128x128xf32, #tpu.memory_space<vmem>>, vector<1x1x16xf32>,
        %get3A_421 = vector.shape_cast %get3A_420 : vector<1x1x16xf32> to vector<16xf32>
        %swap3A_422 = arith.constant 0 : i32
        %swap3A_423 = arith.index_cast %swap3A_422 : i32 to index
        %swap3A_424 = arith.index_cast %add3A_389 : i32 to index
        %swap3A_425 = arith.constant 32 : index
        %swap3A_426 = tpu.vector_load %arg7[%swap3A_423, %swap3A_424, %swap3A_425] {strides = array<i32>} : memref<2x128x64xf32, #tpu.memory_space<vmem>>, vector<1x1x16xf32>,
        %swap3A_427 = vector.shape_cast %swap3A_426 : vector<1x1x16xf32> to vector<16xf32>
        %swap3A_428 = vector.shape_cast %get3A_421 : vector<16xf32> to vector<1x1x16xf32>
        tpu.vector_store %arg7[%swap3A_423, %swap3A_424, %swap3A_425], %swap3A_428 {strides = array<i32>} : memref<2x128x64xf32, #tpu.memory_space<vmem>>, vector<1x1x16xf32>,
        %get3A_429 = arith.constant 0 : i32
        %get3A_430 = arith.index_cast %get3A_429 : i32 to index
        %get3A_431 = arith.index_cast %add3A_389 : i32 to index
        %get3A_432 = arith.constant 48 : index
        %get3A_433 = tpu.vector_load %arg6[%get3A_430, %get3A_431, %get3A_432] {strides = array<i32>} : memref<2x128x128xf32, #tpu.memory_space<vmem>>, vector<1x1x16xf32>,
        %get3A_434 = vector.shape_cast %get3A_433 : vector<1x1x16xf32> to vector<16xf32>
        %swap3A_435 = arith.constant 0 : i32
        %swap3A_436 = arith.index_cast %swap3A_435 : i32 to index
        %swap3A_437 = arith.index_cast %add3A_389 : i32 to index
        %swap3A_438 = arith.constant 48 : index
        %swap3A_439 = tpu.vector_load %arg7[%swap3A_436, %swap3A_437, %swap3A_438] {strides = array<i32>} : memref<2x128x64xf32, #tpu.memory_space<vmem>>, vector<1x1x16xf32>,
        %swap3A_440 = vector.shape_cast %swap3A_439 : vector<1x1x16xf32> to vector<16xf32>
        %swap3A_441 = vector.shape_cast %get3A_434 : vector<16xf32> to vector<1x1x16xf32>
        tpu.vector_store %arg7[%swap3A_436, %swap3A_437, %swap3A_438], %swap3A_441 {strides = array<i32>} : memref<2x128x64xf32, #tpu.memory_space<vmem>>, vector<1x1x16xf32>,
        %mul3A_442 = arith.constant 8 : i32
        %mul3A_443 = arith.muli %scan3A_163, %mul3A_442 : i32
        %add3A_444 = arith.constant 5 : i32
        %add3A_445 = arith.addi %mul3A_443, %add3A_444 : i32
        %get3A_446 = arith.constant 0 : i32
        %get3A_447 = arith.index_cast %get3A_446 : i32 to index
        %get3A_448 = arith.index_cast %add3A_445 : i32 to index
        %get3A_449 = arith.constant 0 : index
        %get3A_450 = tpu.vector_load %arg6[%get3A_447, %get3A_448, %get3A_449] {strides = array<i32>} : memref<2x128x128xf32, #tpu.memory_space<vmem>>, vector<1x1x16xf32>,
        %get3A_451 = vector.shape_cast %get3A_450 : vector<1x1x16xf32> to vector<16xf32>
        %swap3A_452 = arith.constant 0 : i32
        %swap3A_453 = arith.index_cast %swap3A_452 : i32 to index
        %swap3A_454 = arith.index_cast %add3A_445 : i32 to index
        %swap3A_455 = arith.constant 0 : index
        %swap3A_456 = tpu.vector_load %arg7[%swap3A_453, %swap3A_454, %swap3A_455] {strides = array<i32>} : memref<2x128x64xf32, #tpu.memory_space<vmem>>, vector<1x1x16xf32>,
        %swap3A_457 = vector.shape_cast %swap3A_456 : vector<1x1x16xf32> to vector<16xf32>
        %swap3A_458 = vector.shape_cast %get3A_451 : vector<16xf32> to vector<1x1x16xf32>
        tpu.vector_store %arg7[%swap3A_453, %swap3A_454, %swap3A_455], %swap3A_458 {strides = array<i32>} : memref<2x128x64xf32, #tpu.memory_space<vmem>>, vector<1x1x16xf32>,
        %get3A_459 = arith.constant 0 : i32
        %get3A_460 = arith.index_cast %get3A_459 : i32 to index
        %get3A_461 = arith.index_cast %add3A_445 : i32 to index
        %get3A_462 = arith.constant 16 : index
        %get3A_463 = tpu.vector_load %arg6[%get3A_460, %get3A_461, %get3A_462] {strides = array<i32>} : memref<2x128x128xf32, #tpu.memory_space<vmem>>, vector<1x1x16xf32>,
        %get3A_464 = vector.shape_cast %get3A_463 : vector<1x1x16xf32> to vector<16xf32>
        %swap3A_465 = arith.constant 0 : i32
        %swap3A_466 = arith.index_cast %swap3A_465 : i32 to index
        %swap3A_467 = arith.index_cast %add3A_445 : i32 to index
        %swap3A_468 = arith.constant 16 : index
        %swap3A_469 = tpu.vector_load %arg7[%swap3A_466, %swap3A_467, %swap3A_468] {strides = array<i32>} : memref<2x128x64xf32, #tpu.memory_space<vmem>>, vector<1x1x16xf32>,
        %swap3A_470 = vector.shape_cast %swap3A_469 : vector<1x1x16xf32> to vector<16xf32>
        %swap3A_471 = vector.shape_cast %get3A_464 : vector<16xf32> to vector<1x1x16xf32>
        tpu.vector_store %arg7[%swap3A_466, %swap3A_467, %swap3A_468], %swap3A_471 {strides = array<i32>} : memref<2x128x64xf32, #tpu.memory_space<vmem>>, vector<1x1x16xf32>,
        %get3A_472 = arith.constant 0 : i32
        %get3A_473 = arith.index_cast %get3A_472 : i32 to index
        %get3A_474 = arith.index_cast %add3A_445 : i32 to index
        %get3A_475 = arith.constant 32 : index
        %get3A_476 = tpu.vector_load %arg6[%get3A_473, %get3A_474, %get3A_475] {strides = array<i32>} : memref<2x128x128xf32, #tpu.memory_space<vmem>>, vector<1x1x16xf32>,
        %get3A_477 = vector.shape_cast %get3A_476 : vector<1x1x16xf32> to vector<16xf32>
        %swap3A_478 = arith.constant 0 : i32
        %swap3A_479 = arith.index_cast %swap3A_478 : i32 to index
        %swap3A_480 = arith.index_cast %add3A_445 : i32 to index
        %swap3A_481 = arith.constant 32 : index
        %swap3A_482 = tpu.vector_load %arg7[%swap3A_479, %swap3A_480, %swap3A_481] {strides = array<i32>} : memref<2x128x64xf32, #tpu.memory_space<vmem>>, vector<1x1x16xf32>,
        %swap3A_483 = vector.shape_cast %swap3A_482 : vector<1x1x16xf32> to vector<16xf32>
        %swap3A_484 = vector.shape_cast %get3A_477 : vector<16xf32> to vector<1x1x16xf32>
        tpu.vector_store %arg7[%swap3A_479, %swap3A_480, %swap3A_481], %swap3A_484 {strides = array<i32>} : memref<2x128x64xf32, #tpu.memory_space<vmem>>, vector<1x1x16xf32>,
        %get3A_485 = arith.constant 0 : i32
        %get3A_486 = arith.index_cast %get3A_485 : i32 to index
        %get3A_487 = arith.index_cast %add3A_445 : i32 to index
        %get3A_488 = arith.constant 48 : index
        %get3A_489 = tpu.vector_load %arg6[%get3A_486, %get3A_487, %get3A_488] {strides = array<i32>} : memref<2x128x128xf32, #tpu.memory_space<vmem>>, vector<1x1x16xf32>,
        %get3A_490 = vector.shape_cast %get3A_489 : vector<1x1x16xf32> to vector<16xf32>
        %swap3A_491 = arith.constant 0 : i32
        %swap3A_492 = arith.index_cast %swap3A_491 : i32 to index
        %swap3A_493 = arith.index_cast %add3A_445 : i32 to index
        %swap3A_494 = arith.constant 48 : index
        %swap3A_495 = tpu.vector_load %arg7[%swap3A_492, %swap3A_493, %swap3A_494] {strides = array<i32>} : memref<2x128x64xf32, #tpu.memory_space<vmem>>, vector<1x1x16xf32>,
        %swap3A_496 = vector.shape_cast %swap3A_495 : vector<1x1x16xf32> to vector<16xf32>
        %swap3A_497 = vector.shape_cast %get3A_490 : vector<16xf32> to vector<1x1x16xf32>
        tpu.vector_store %arg7[%swap3A_492, %swap3A_493, %swap3A_494], %swap3A_497 {strides = array<i32>} : memref<2x128x64xf32, #tpu.memory_space<vmem>>, vector<1x1x16xf32>,
        %mul3A_498 = arith.constant 8 : i32
        %mul3A_499 = arith.muli %scan3A_163, %mul3A_498 : i32
        %add3A_500 = arith.constant 6 : i32
        %add3A_501 = arith.addi %mul3A_499, %add3A_500 : i32
        %get3A_502 = arith.constant 0 : i32
        %get3A_503 = arith.index_cast %get3A_502 : i32 to index
        %get3A_504 = arith.index_cast %add3A_501 : i32 to index
        %get3A_505 = arith.constant 0 : index
        %get3A_506 = tpu.vector_load %arg6[%get3A_503, %get3A_504, %get3A_505] {strides = array<i32>} : memref<2x128x128xf32, #tpu.memory_space<vmem>>, vector<1x1x16xf32>,
        %get3A_507 = vector.shape_cast %get3A_506 : vector<1x1x16xf32> to vector<16xf32>
        %swap3A_508 = arith.constant 0 : i32
        %swap3A_509 = arith.index_cast %swap3A_508 : i32 to index
        %swap3A_510 = arith.index_cast %add3A_501 : i32 to index
        %swap3A_511 = arith.constant 0 : index
        %swap3A_512 = tpu.vector_load %arg7[%swap3A_509, %swap3A_510, %swap3A_511] {strides = array<i32>} : memref<2x128x64xf32, #tpu.memory_space<vmem>>, vector<1x1x16xf32>,
        %swap3A_513 = vector.shape_cast %swap3A_512 : vector<1x1x16xf32> to vector<16xf32>
        %swap3A_514 = vector.shape_cast %get3A_507 : vector<16xf32> to vector<1x1x16xf32>
        tpu.vector_store %arg7[%swap3A_509, %swap3A_510, %swap3A_511], %swap3A_514 {strides = array<i32>} : memref<2x128x64xf32, #tpu.memory_space<vmem>>, vector<1x1x16xf32>,
        %get3A_515 = arith.constant 0 : i32
        %get3A_516 = arith.index_cast %get3A_515 : i32 to index
        %get3A_517 = arith.index_cast %add3A_501 : i32 to index
        %get3A_518 = arith.constant 16 : index
        %get3A_519 = tpu.vector_load %arg6[%get3A_516, %get3A_517, %get3A_518] {strides = array<i32>} : memref<2x128x128xf32, #tpu.memory_space<vmem>>, vector<1x1x16xf32>,
        %get3A_520 = vector.shape_cast %get3A_519 : vector<1x1x16xf32> to vector<16xf32>
        %swap3A_521 = arith.constant 0 : i32
        %swap3A_522 = arith.index_cast %swap3A_521 : i32 to index
        %swap3A_523 = arith.index_cast %add3A_501 : i32 to index
        %swap3A_524 = arith.constant 16 : index
        %swap3A_525 = tpu.vector_load %arg7[%swap3A_522, %swap3A_523, %swap3A_524] {strides = array<i32>} : memref<2x128x64xf32, #tpu.memory_space<vmem>>, vector<1x1x16xf32>,
        %swap3A_526 = vector.shape_cast %swap3A_525 : vector<1x1x16xf32> to vector<16xf32>
        %swap3A_527 = vector.shape_cast %get3A_520 : vector<16xf32> to vector<1x1x16xf32>
        tpu.vector_store %arg7[%swap3A_522, %swap3A_523, %swap3A_524], %swap3A_527 {strides = array<i32>} : memref<2x128x64xf32, #tpu.memory_space<vmem>>, vector<1x1x16xf32>,
        %get3A_528 = arith.constant 0 : i32
        %get3A_529 = arith.index_cast %get3A_528 : i32 to index
        %get3A_530 = arith.index_cast %add3A_501 : i32 to index
        %get3A_531 = arith.constant 32 : index
        %get3A_532 = tpu.vector_load %arg6[%get3A_529, %get3A_530, %get3A_531] {strides = array<i32>} : memref<2x128x128xf32, #tpu.memory_space<vmem>>, vector<1x1x16xf32>,
        %get3A_533 = vector.shape_cast %get3A_532 : vector<1x1x16xf32> to vector<16xf32>
        %swap3A_534 = arith.constant 0 : i32
        %swap3A_535 = arith.index_cast %swap3A_534 : i32 to index
        %swap3A_536 = arith.index_cast %add3A_501 : i32 to index
        %swap3A_537 = arith.constant 32 : index
        %swap3A_538 = tpu.vector_load %arg7[%swap3A_535, %swap3A_536, %swap3A_537] {strides = array<i32>} : memref<2x128x64xf32, #tpu.memory_space<vmem>>, vector<1x1x16xf32>,
        %swap3A_539 = vector.shape_cast %swap3A_538 : vector<1x1x16xf32> to vector<16xf32>
        %swap3A_540 = vector.shape_cast %get3A_533 : vector<16xf32> to vector<1x1x16xf32>
        tpu.vector_store %arg7[%swap3A_535, %swap3A_536, %swap3A_537], %swap3A_540 {strides = array<i32>} : memref<2x128x64xf32, #tpu.memory_space<vmem>>, vector<1x1x16xf32>,
        %get3A_541 = arith.constant 0 : i32
        %get3A_542 = arith.index_cast %get3A_541 : i32 to index
        %get3A_543 = arith.index_cast %add3A_501 : i32 to index
        %get3A_544 = arith.constant 48 : index
        %get3A_545 = tpu.vector_load %arg6[%get3A_542, %get3A_543, %get3A_544] {strides = array<i32>} : memref<2x128x128xf32, #tpu.memory_space<vmem>>, vector<1x1x16xf32>,
        %get3A_546 = vector.shape_cast %get3A_545 : vector<1x1x16xf32> to vector<16xf32>
        %swap3A_547 = arith.constant 0 : i32
        %swap3A_548 = arith.index_cast %swap3A_547 : i32 to index
        %swap3A_549 = arith.index_cast %add3A_501 : i32 to index
        %swap3A_550 = arith.constant 48 : index
        %swap3A_551 = tpu.vector_load %arg7[%swap3A_548, %swap3A_549, %swap3A_550] {strides = array<i32>} : memref<2x128x64xf32, #tpu.memory_space<vmem>>, vector<1x1x16xf32>,
        %swap3A_552 = vector.shape_cast %swap3A_551 : vector<1x1x16xf32> to vector<16xf32>
        %swap3A_553 = vector.shape_cast %get3A_546 : vector<16xf32> to vector<1x1x16xf32>
        tpu.vector_store %arg7[%swap3A_548, %swap3A_549, %swap3A_550], %swap3A_553 {strides = array<i32>} : memref<2x128x64xf32, #tpu.memory_space<vmem>>, vector<1x1x16xf32>,
        %mul3A_554 = arith.constant 8 : i32
        %mul3A_555 = arith.muli %scan3A_163, %mul3A_554 : i32
        %add3A_556 = arith.constant 7 : i32
        %add3A_557 = arith.addi %mul3A_555, %add3A_556 : i32
        %get3A_558 = arith.constant 0 : i32
        %get3A_559 = arith.index_cast %get3A_558 : i32 to index
        %get3A_560 = arith.index_cast %add3A_557 : i32 to index
        %get3A_561 = arith.constant 0 : index
        %get3A_562 = tpu.vector_load %arg6[%get3A_559, %get3A_560, %get3A_561] {strides = array<i32>} : memref<2x128x128xf32, #tpu.memory_space<vmem>>, vector<1x1x16xf32>,
        %get3A_563 = vector.shape_cast %get3A_562 : vector<1x1x16xf32> to vector<16xf32>
        %swap3A_564 = arith.constant 0 : i32
        %swap3A_565 = arith.index_cast %swap3A_564 : i32 to index
        %swap3A_566 = arith.index_cast %add3A_557 : i32 to index
        %swap3A_567 = arith.constant 0 : index
        %swap3A_568 = tpu.vector_load %arg7[%swap3A_565, %swap3A_566, %swap3A_567] {strides = array<i32>} : memref<2x128x64xf32, #tpu.memory_space<vmem>>, vector<1x1x16xf32>,
        %swap3A_569 = vector.shape_cast %swap3A_568 : vector<1x1x16xf32> to vector<16xf32>
        %swap3A_570 = vector.shape_cast %get3A_563 : vector<16xf32> to vector<1x1x16xf32>
        tpu.vector_store %arg7[%swap3A_565, %swap3A_566, %swap3A_567], %swap3A_570 {strides = array<i32>} : memref<2x128x64xf32, #tpu.memory_space<vmem>>, vector<1x1x16xf32>,
        %get3A_571 = arith.constant 0 : i32
        %get3A_572 = arith.index_cast %get3A_571 : i32 to index
        %get3A_573 = arith.index_cast %add3A_557 : i32 to index
        %get3A_574 = arith.constant 16 : index
        %get3A_575 = tpu.vector_load %arg6[%get3A_572, %get3A_573, %get3A_574] {strides = array<i32>} : memref<2x128x128xf32, #tpu.memory_space<vmem>>, vector<1x1x16xf32>,
        %get3A_576 = vector.shape_cast %get3A_575 : vector<1x1x16xf32> to vector<16xf32>
        %swap3A_577 = arith.constant 0 : i32
        %swap3A_578 = arith.index_cast %swap3A_577 : i32 to index
        %swap3A_579 = arith.index_cast %add3A_557 : i32 to index
        %swap3A_580 = arith.constant 16 : index
        %swap3A_581 = tpu.vector_load %arg7[%swap3A_578, %swap3A_579, %swap3A_580] {strides = array<i32>} : memref<2x128x64xf32, #tpu.memory_space<vmem>>, vector<1x1x16xf32>,
        %swap3A_582 = vector.shape_cast %swap3A_581 : vector<1x1x16xf32> to vector<16xf32>
        %swap3A_583 = vector.shape_cast %get3A_576 : vector<16xf32> to vector<1x1x16xf32>
        tpu.vector_store %arg7[%swap3A_578, %swap3A_579, %swap3A_580], %swap3A_583 {strides = array<i32>} : memref<2x128x64xf32, #tpu.memory_space<vmem>>, vector<1x1x16xf32>,
        %get3A_584 = arith.constant 0 : i32
        %get3A_585 = arith.index_cast %get3A_584 : i32 to index
        %get3A_586 = arith.index_cast %add3A_557 : i32 to index
        %get3A_587 = arith.constant 32 : index
        %get3A_588 = tpu.vector_load %arg6[%get3A_585, %get3A_586, %get3A_587] {strides = array<i32>} : memref<2x128x128xf32, #tpu.memory_space<vmem>>, vector<1x1x16xf32>,
        %get3A_589 = vector.shape_cast %get3A_588 : vector<1x1x16xf32> to vector<16xf32>
        %swap3A_590 = arith.constant 0 : i32
        %swap3A_591 = arith.index_cast %swap3A_590 : i32 to index
        %swap3A_592 = arith.index_cast %add3A_557 : i32 to index
        %swap3A_593 = arith.constant 32 : index
        %swap3A_594 = tpu.vector_load %arg7[%swap3A_591, %swap3A_592, %swap3A_593] {strides = array<i32>} : memref<2x128x64xf32, #tpu.memory_space<vmem>>, vector<1x1x16xf32>,
        %swap3A_595 = vector.shape_cast %swap3A_594 : vector<1x1x16xf32> to vector<16xf32>
        %swap3A_596 = vector.shape_cast %get3A_589 : vector<16xf32> to vector<1x1x16xf32>
        tpu.vector_store %arg7[%swap3A_591, %swap3A_592, %swap3A_593], %swap3A_596 {strides = array<i32>} : memref<2x128x64xf32, #tpu.memory_space<vmem>>, vector<1x1x16xf32>,
        %get3A_597 = arith.constant 0 : i32
        %get3A_598 = arith.index_cast %get3A_597 : i32 to index
        %get3A_599 = arith.index_cast %add3A_557 : i32 to index
        %get3A_600 = arith.constant 48 : index
        %get3A_601 = tpu.vector_load %arg6[%get3A_598, %get3A_599, %get3A_600] {strides = array<i32>} : memref<2x128x128xf32, #tpu.memory_space<vmem>>, vector<1x1x16xf32>,
        %get3A_602 = vector.shape_cast %get3A_601 : vector<1x1x16xf32> to vector<16xf32>
        %swap3A_603 = arith.constant 0 : i32
        %swap3A_604 = arith.index_cast %swap3A_603 : i32 to index
        %swap3A_605 = arith.index_cast %add3A_557 : i32 to index
        %swap3A_606 = arith.constant 48 : index
        %swap3A_607 = tpu.vector_load %arg7[%swap3A_604, %swap3A_605, %swap3A_606] {strides = array<i32>} : memref<2x128x64xf32, #tpu.memory_space<vmem>>, vector<1x1x16xf32>,
        %swap3A_608 = vector.shape_cast %swap3A_607 : vector<1x1x16xf32> to vector<16xf32>
        %swap3A_609 = vector.shape_cast %get3A_602 : vector<16xf32> to vector<1x1x16xf32>
        tpu.vector_store %arg7[%swap3A_604, %swap3A_605, %swap3A_606], %swap3A_609 {strides = array<i32>} : memref<2x128x64xf32, #tpu.memory_space<vmem>>, vector<1x1x16xf32>,
      }
      %scan3A_87 = arith.constant 16 : i32
      %add3A_88 = arith.constant 2 : i32
      %add3A_89 = arith.addi %add3A_64, %add3A_88 : i32
      %lt3A = arith.constant 200 : i32
      %lt3A_90 = arith.cmpi slt, %add3A_89, %lt3A : i32
      %convert_element_type3A_91 = arith.extui %lt3A_90 : i1 to i32
      %cond3A_92 = arith.constant 0 : i32
      %cond3A_93 = arith.cmpi ne, %convert_element_type3A_91, %cond3A_92 : i32
      scf.if %cond3A_93 {
        %add3A_163 = arith.constant 2 : i32
        %add3A_164 = arith.addi %add3A_64, %add3A_163 : i32
        %dma_start3A_165 = arith.constant 0 : i32
        %dma_start3A_166 = arith.constant 0 : i32
        %dma_start3A_167 = arith.constant 0 : i32
        %dma_start3A_168 = tpu.memref_slice %arg6[%dma_start3A_165, %dma_start3A_166, %dma_start3A_167] : memref<2x128x128xf32, #tpu.memory_space<vmem>> -> memref<1x128x128xf32, #tpu.memory_space<vmem>>
        %dma_start3A_169 = tpu.memref_squeeze %dma_start3A_168 : memref<1x128x128xf32, #tpu.memory_space<vmem>> -> memref<128x128xf32, #tpu.memory_space<vmem>>
        %dma_start3A_170 = arith.constant 0 : i32
        %dma_start3A_171 = tpu.memref_slice %arg5[%add3A_164, %dma_start3A_170] : memref<200x128xi32, #tpu.memory_space<vmem>> -> memref<1x128xi32, #tpu.memory_space<vmem>>
        %dma_start3A_172 = tpu.memref_squeeze %dma_start3A_171 : memref<1x128xi32, #tpu.memory_space<vmem>> -> memref<128xi32, #tpu.memory_space<vmem>>
        %dma_start3A_173 = arith.constant 0 : i32
        %dma_start3A_174 = arith.constant 0 : i32
        %dma_start3A_175 = tpu.memref_slice %arg3[%dma_start3A_173, %dma_start3A_174] : memref<100000x128xf32, #tpu.memory_space<hbm>> -> memref<100000x128xf32, #tpu.memory_space<hbm>>
        tpu.enqueue_indirect_dma source(%dma_start3A_175 : memref<100000x128xf32, #tpu.memory_space<hbm>>) target(%dma_start3A_169 : memref<128x128xf32, #tpu.memory_space<vmem>>) offsets(%dma_start3A_172 : memref<128xi32, #tpu.memory_space<vmem>>) semaphore(%arg8 : memref<!tpu.dma_semaphore, #tpu.memory_space<semaphore_mem>>)
      } else {
      }
      %mul3A_94 = arith.constant 128 : i32
      %mul3A_95 = arith.muli %add3A_64, %mul3A_94 : i32
      %add3A_96 = arith.addi %mul3A_2, %mul3A_95 : i32
      %dma_start3A_97 = arith.constant 0 : i32
      %dma_start3A_98 = arith.constant 0 : i32
      %dma_start3A_99 = arith.constant 0 : i32
      %dma_start3A_100 = tpu.memref_slice %arg7[%dma_start3A_97, %dma_start3A_98, %dma_start3A_99] : memref<2x128x64xf32, #tpu.memory_space<vmem>> -> memref<1x128x64xf32, #tpu.memory_space<vmem>>
      %dma_start3A_101 = tpu.memref_squeeze %dma_start3A_100 : memref<1x128x64xf32, #tpu.memory_space<vmem>> -> memref<128x64xf32, #tpu.memory_space<vmem>>
      %dma_start3A_102 = arith.constant 0 : i32
      %dma_start3A_103 = tpu.memref_slice %arg4[%add3A_96, %dma_start3A_102] : memref<819200x64xf32, #tpu.memory_space<hbm>> -> memref<128x64xf32, #tpu.memory_space<hbm>>
      %dma_start3A_104 = arith.constant 0 : i32
      %dma_start3A_105 = tpu.memref_slice %arg4[%add3A_96, %dma_start3A_104] : memref<819200x64xf32, #tpu.memory_space<hbm>> -> memref<128x64xf32, #tpu.memory_space<hbm>>
      %dma_start3A_106 = arith.constant 0 : i32
      %dma_start3A_107 = arith.constant 0 : i32
      %dma_start3A_108 = tpu.memref_slice %arg7[%dma_start3A_97, %dma_start3A_106, %dma_start3A_107] : memref<2x128x64xf32, #tpu.memory_space<vmem>> -> memref<1x128x64xf32, #tpu.memory_space<vmem>>
      %dma_start3A_109 = tpu.memref_squeeze %dma_start3A_108 : memref<1x128x64xf32, #tpu.memory_space<vmem>> -> memref<128x64xf32, #tpu.memory_space<vmem>>
      tpu.enqueue_dma source(%dma_start3A_109 : memref<128x64xf32, #tpu.memory_space<vmem>>) target(%dma_start3A_105 : memref<128x64xf32, #tpu.memory_space<hbm>>) target_semaphore(%arg10 : memref<!tpu.dma_semaphore, #tpu.memory_space<semaphore_mem>>)
      %mul3A_110 = arith.constant 2 : i32
      %mul3A_111 = arith.muli %mul3A_110, %scan3A_60 : i32
      %add3A_112 = arith.constant 1 : i32
      %add3A_113 = arith.addi %mul3A_111, %add3A_112 : i32
      %dma_wait3A_114 = arith.constant 1 : i32
      %dma_wait3A_115 = arith.constant 0 : i32
      %dma_wait3A_116 = arith.constant 0 : i32
      %dma_wait3A_117 = tpu.memref_slice %arg6[%dma_wait3A_114, %dma_wait3A_115, %dma_wait3A_116] : memref<2x128x128xf32, #tpu.memory_space<vmem>> -> memref<1x128x128xf32, #tpu.memory_space<vmem>>
      %dma_wait3A_118 = tpu.memref_squeeze %dma_wait3A_117 : memref<1x128x128xf32, #tpu.memory_space<vmem>> -> memref<128x128xf32, #tpu.memory_space<vmem>>
      %dma_wait3A_119 = arith.constant 0 : i32
      %dma_wait3A_120 = arith.constant 0 : i32
      %dma_wait3A_121 = tpu.memref_slice %arg3[%dma_wait3A_119, %dma_wait3A_120] : memref<100000x128xf32, #tpu.memory_space<hbm>> -> memref<128x128xf32, #tpu.memory_space<hbm>>
      %dma_wait3A_122 = arith.constant 0 : i32
      %dma_wait3A_123 = arith.constant 0 : i32
      %dma_wait3A_124 = tpu.memref_slice %arg6[%dma_wait3A_114, %dma_wait3A_122, %dma_wait3A_123] : memref<2x128x128xf32, #tpu.memory_space<vmem>> -> memref<1x128x128xf32, #tpu.memory_space<vmem>>
      %dma_wait3A_125 = tpu.memref_squeeze %dma_wait3A_124 : memref<1x128x128xf32, #tpu.memory_space<vmem>> -> memref<128x128xf32, #tpu.memory_space<vmem>>
      %dma_wait3A_126 = arith.constant 0 : i32
      %dma_wait3A_127 = arith.constant 0 : i32
      %dma_wait3A_128 = tpu.memref_slice %arg3[%dma_wait3A_126, %dma_wait3A_127] : memref<100000x128xf32, #tpu.memory_space<hbm>> -> memref<128x128xf32, #tpu.memory_space<hbm>>
      tpu.wait_dma2 semaphore(%arg9 : memref<!tpu.dma_semaphore, #tpu.memory_space<semaphore_mem>>) src(%dma_wait3A_128 : memref<128x128xf32, #tpu.memory_space<hbm>>) dst(%dma_wait3A_125 : memref<128x128xf32, #tpu.memory_space<vmem>>)
      %ge3A_129 = arith.constant 2 : i32
      %ge3A_130 = arith.cmpi sge, %add3A_113, %ge3A_129 : i32
      %convert_element_type3A_131 = arith.extui %ge3A_130 : i1 to i32
      %cond3A_132 = arith.constant 0 : i32
      %cond3A_133 = arith.cmpi ne, %convert_element_type3A_131, %cond3A_132 : i32
      scf.if %cond3A_133 {
        %dma_wait3A_163 = arith.constant 1 : i32
        %dma_wait3A_164 = arith.constant 0 : i32
        %dma_wait3A_165 = arith.constant 0 : i32
        %dma_wait3A_166 = tpu.memref_slice %arg7[%dma_wait3A_163, %dma_wait3A_164, %dma_wait3A_165] : memref<2x128x64xf32, #tpu.memory_space<vmem>> -> memref<1x128x64xf32, #tpu.memory_space<vmem>>
        %dma_wait3A_167 = tpu.memref_squeeze %dma_wait3A_166 : memref<1x128x64xf32, #tpu.memory_space<vmem>> -> memref<128x64xf32, #tpu.memory_space<vmem>>
        %dma_wait3A_168 = arith.constant 0 : i32
        %dma_wait3A_169 = arith.constant 0 : i32
        %dma_wait3A_170 = tpu.memref_slice %arg4[%dma_wait3A_168, %dma_wait3A_169] : memref<819200x64xf32, #tpu.memory_space<hbm>> -> memref<128x64xf32, #tpu.memory_space<hbm>>
        %dma_wait3A_171 = arith.constant 0 : i32
        %dma_wait3A_172 = arith.constant 0 : i32
        %dma_wait3A_173 = tpu.memref_slice %arg4[%dma_wait3A_171, %dma_wait3A_172] : memref<819200x64xf32, #tpu.memory_space<hbm>> -> memref<128x64xf32, #tpu.memory_space<hbm>>
        %dma_wait3A_174 = arith.constant 0 : i32
        %dma_wait3A_175 = arith.constant 0 : i32
        %dma_wait3A_176 = tpu.memref_slice %arg7[%dma_wait3A_163, %dma_wait3A_174, %dma_wait3A_175] : memref<2x128x64xf32, #tpu.memory_space<vmem>> -> memref<1x128x64xf32, #tpu.memory_space<vmem>>
        %dma_wait3A_177 = tpu.memref_squeeze %dma_wait3A_176 : memref<1x128x64xf32, #tpu.memory_space<vmem>> -> memref<128x64xf32, #tpu.memory_space<vmem>>
        tpu.wait_dma2 semaphore(%arg11 : memref<!tpu.dma_semaphore, #tpu.memory_space<semaphore_mem>>) src(%dma_wait3A_177 : memref<128x64xf32, #tpu.memory_space<vmem>>) dst(%dma_wait3A_173 : memref<128x64xf32, #tpu.memory_space<hbm>>)
      } else {
      }
      %scan3A_134 = arith.constant 0 : i32
      %scan3A_135 = arith.constant 0 : i32
      %scan3A_136 = arith.constant 16 : i32
      %scan3A_137 = arith.addi %scan3A_135, %scan3A_136 : i32
      %scan3A_138 = arith.constant 1 : i32
      scf.for %scan3A_163 = %scan3A_135 to %scan3A_137 step %scan3A_138  : i32 {
        %mul3A_164 = arith.constant 8 : i32
        %mul3A_165 = arith.muli %scan3A_163, %mul3A_164 : i32
        %add3A_166 = arith.constant 0 : i32
        %add3A_167 = arith.addi %mul3A_165, %add3A_166 : i32
        %get3A = arith.constant 1 : i32
        %get3A_168 = arith.index_cast %get3A : i32 to index
        %get3A_169 = arith.index_cast %add3A_167 : i32 to index
        %get3A_170 = arith.constant 0 : index
        %get3A_171 = tpu.vector_load %arg6[%get3A_168, %get3A_169, %get3A_170] {strides = array<i32>} : memref<2x128x128xf32, #tpu.memory_space<vmem>>, vector<1x1x16xf32>,
        %get3A_172 = vector.shape_cast %get3A_171 : vector<1x1x16xf32> to vector<16xf32>
        %swap3A = arith.constant 1 : i32
        %swap3A_173 = arith.index_cast %swap3A : i32 to index
        %swap3A_174 = arith.index_cast %add3A_167 : i32 to index
        %swap3A_175 = arith.constant 0 : index
        %swap3A_176 = tpu.vector_load %arg7[%swap3A_173, %swap3A_174, %swap3A_175] {strides = array<i32>} : memref<2x128x64xf32, #tpu.memory_space<vmem>>, vector<1x1x16xf32>,
        %swap3A_177 = vector.shape_cast %swap3A_176 : vector<1x1x16xf32> to vector<16xf32>
        %swap3A_178 = vector.shape_cast %get3A_172 : vector<16xf32> to vector<1x1x16xf32>
        tpu.vector_store %arg7[%swap3A_173, %swap3A_174, %swap3A_175], %swap3A_178 {strides = array<i32>} : memref<2x128x64xf32, #tpu.memory_space<vmem>>, vector<1x1x16xf32>,
        %get3A_179 = arith.constant 1 : i32
        %get3A_180 = arith.index_cast %get3A_179 : i32 to index
        %get3A_181 = arith.index_cast %add3A_167 : i32 to index
        %get3A_182 = arith.constant 16 : index
        %get3A_183 = tpu.vector_load %arg6[%get3A_180, %get3A_181, %get3A_182] {strides = array<i32>} : memref<2x128x128xf32, #tpu.memory_space<vmem>>, vector<1x1x16xf32>,
        %get3A_184 = vector.shape_cast %get3A_183 : vector<1x1x16xf32> to vector<16xf32>
        %swap3A_185 = arith.constant 1 : i32
        %swap3A_186 = arith.index_cast %swap3A_185 : i32 to index
        %swap3A_187 = arith.index_cast %add3A_167 : i32 to index
        %swap3A_188 = arith.constant 16 : index
        %swap3A_189 = tpu.vector_load %arg7[%swap3A_186, %swap3A_187, %swap3A_188] {strides = array<i32>} : memref<2x128x64xf32, #tpu.memory_space<vmem>>, vector<1x1x16xf32>,
        %swap3A_190 = vector.shape_cast %swap3A_189 : vector<1x1x16xf32> to vector<16xf32>
        %swap3A_191 = vector.shape_cast %get3A_184 : vector<16xf32> to vector<1x1x16xf32>
        tpu.vector_store %arg7[%swap3A_186, %swap3A_187, %swap3A_188], %swap3A_191 {strides = array<i32>} : memref<2x128x64xf32, #tpu.memory_space<vmem>>, vector<1x1x16xf32>,
        %get3A_192 = arith.constant 1 : i32
        %get3A_193 = arith.index_cast %get3A_192 : i32 to index
        %get3A_194 = arith.index_cast %add3A_167 : i32 to index
        %get3A_195 = arith.constant 32 : index
        %get3A_196 = tpu.vector_load %arg6[%get3A_193, %get3A_194, %get3A_195] {strides = array<i32>} : memref<2x128x128xf32, #tpu.memory_space<vmem>>, vector<1x1x16xf32>,
        %get3A_197 = vector.shape_cast %get3A_196 : vector<1x1x16xf32> to vector<16xf32>
        %swap3A_198 = arith.constant 1 : i32
        %swap3A_199 = arith.index_cast %swap3A_198 : i32 to index
        %swap3A_200 = arith.index_cast %add3A_167 : i32 to index
        %swap3A_201 = arith.constant 32 : index
        %swap3A_202 = tpu.vector_load %arg7[%swap3A_199, %swap3A_200, %swap3A_201] {strides = array<i32>} : memref<2x128x64xf32, #tpu.memory_space<vmem>>, vector<1x1x16xf32>,
        %swap3A_203 = vector.shape_cast %swap3A_202 : vector<1x1x16xf32> to vector<16xf32>
        %swap3A_204 = vector.shape_cast %get3A_197 : vector<16xf32> to vector<1x1x16xf32>
        tpu.vector_store %arg7[%swap3A_199, %swap3A_200, %swap3A_201], %swap3A_204 {strides = array<i32>} : memref<2x128x64xf32, #tpu.memory_space<vmem>>, vector<1x1x16xf32>,
        %get3A_205 = arith.constant 1 : i32
        %get3A_206 = arith.index_cast %get3A_205 : i32 to index
        %get3A_207 = arith.index_cast %add3A_167 : i32 to index
        %get3A_208 = arith.constant 48 : index
        %get3A_209 = tpu.vector_load %arg6[%get3A_206, %get3A_207, %get3A_208] {strides = array<i32>} : memref<2x128x128xf32, #tpu.memory_space<vmem>>, vector<1x1x16xf32>,
        %get3A_210 = vector.shape_cast %get3A_209 : vector<1x1x16xf32> to vector<16xf32>
        %swap3A_211 = arith.constant 1 : i32
        %swap3A_212 = arith.index_cast %swap3A_211 : i32 to index
        %swap3A_213 = arith.index_cast %add3A_167 : i32 to index
        %swap3A_214 = arith.constant 48 : index
        %swap3A_215 = tpu.vector_load %arg7[%swap3A_212, %swap3A_213, %swap3A_214] {strides = array<i32>} : memref<2x128x64xf32, #tpu.memory_space<vmem>>, vector<1x1x16xf32>,
        %swap3A_216 = vector.shape_cast %swap3A_215 : vector<1x1x16xf32> to vector<16xf32>
        %swap3A_217 = vector.shape_cast %get3A_210 : vector<16xf32> to vector<1x1x16xf32>
        tpu.vector_store %arg7[%swap3A_212, %swap3A_213, %swap3A_214], %swap3A_217 {strides = array<i32>} : memref<2x128x64xf32, #tpu.memory_space<vmem>>, vector<1x1x16xf32>,
        %mul3A_218 = arith.constant 8 : i32
        %mul3A_219 = arith.muli %scan3A_163, %mul3A_218 : i32
        %add3A_220 = arith.constant 1 : i32
        %add3A_221 = arith.addi %mul3A_219, %add3A_220 : i32
        %get3A_222 = arith.constant 1 : i32
        %get3A_223 = arith.index_cast %get3A_222 : i32 to index
        %get3A_224 = arith.index_cast %add3A_221 : i32 to index
        %get3A_225 = arith.constant 0 : index
        %get3A_226 = tpu.vector_load %arg6[%get3A_223, %get3A_224, %get3A_225] {strides = array<i32>} : memref<2x128x128xf32, #tpu.memory_space<vmem>>, vector<1x1x16xf32>,
        %get3A_227 = vector.shape_cast %get3A_226 : vector<1x1x16xf32> to vector<16xf32>
        %swap3A_228 = arith.constant 1 : i32
        %swap3A_229 = arith.index_cast %swap3A_228 : i32 to index
        %swap3A_230 = arith.index_cast %add3A_221 : i32 to index
        %swap3A_231 = arith.constant 0 : index
        %swap3A_232 = tpu.vector_load %arg7[%swap3A_229, %swap3A_230, %swap3A_231] {strides = array<i32>} : memref<2x128x64xf32, #tpu.memory_space<vmem>>, vector<1x1x16xf32>,
        %swap3A_233 = vector.shape_cast %swap3A_232 : vector<1x1x16xf32> to vector<16xf32>
        %swap3A_234 = vector.shape_cast %get3A_227 : vector<16xf32> to vector<1x1x16xf32>
        tpu.vector_store %arg7[%swap3A_229, %swap3A_230, %swap3A_231], %swap3A_234 {strides = array<i32>} : memref<2x128x64xf32, #tpu.memory_space<vmem>>, vector<1x1x16xf32>,
        %get3A_235 = arith.constant 1 : i32
        %get3A_236 = arith.index_cast %get3A_235 : i32 to index
        %get3A_237 = arith.index_cast %add3A_221 : i32 to index
        %get3A_238 = arith.constant 16 : index
        %get3A_239 = tpu.vector_load %arg6[%get3A_236, %get3A_237, %get3A_238] {strides = array<i32>} : memref<2x128x128xf32, #tpu.memory_space<vmem>>, vector<1x1x16xf32>,
        %get3A_240 = vector.shape_cast %get3A_239 : vector<1x1x16xf32> to vector<16xf32>
        %swap3A_241 = arith.constant 1 : i32
        %swap3A_242 = arith.index_cast %swap3A_241 : i32 to index
        %swap3A_243 = arith.index_cast %add3A_221 : i32 to index
        %swap3A_244 = arith.constant 16 : index
        %swap3A_245 = tpu.vector_load %arg7[%swap3A_242, %swap3A_243, %swap3A_244] {strides = array<i32>} : memref<2x128x64xf32, #tpu.memory_space<vmem>>, vector<1x1x16xf32>,
        %swap3A_246 = vector.shape_cast %swap3A_245 : vector<1x1x16xf32> to vector<16xf32>
        %swap3A_247 = vector.shape_cast %get3A_240 : vector<16xf32> to vector<1x1x16xf32>
        tpu.vector_store %arg7[%swap3A_242, %swap3A_243, %swap3A_244], %swap3A_247 {strides = array<i32>} : memref<2x128x64xf32, #tpu.memory_space<vmem>>, vector<1x1x16xf32>,
        %get3A_248 = arith.constant 1 : i32
        %get3A_249 = arith.index_cast %get3A_248 : i32 to index
        %get3A_250 = arith.index_cast %add3A_221 : i32 to index
        %get3A_251 = arith.constant 32 : index
        %get3A_252 = tpu.vector_load %arg6[%get3A_249, %get3A_250, %get3A_251] {strides = array<i32>} : memref<2x128x128xf32, #tpu.memory_space<vmem>>, vector<1x1x16xf32>,
        %get3A_253 = vector.shape_cast %get3A_252 : vector<1x1x16xf32> to vector<16xf32>
        %swap3A_254 = arith.constant 1 : i32
        %swap3A_255 = arith.index_cast %swap3A_254 : i32 to index
        %swap3A_256 = arith.index_cast %add3A_221 : i32 to index
        %swap3A_257 = arith.constant 32 : index
        %swap3A_258 = tpu.vector_load %arg7[%swap3A_255, %swap3A_256, %swap3A_257] {strides = array<i32>} : memref<2x128x64xf32, #tpu.memory_space<vmem>>, vector<1x1x16xf32>,
        %swap3A_259 = vector.shape_cast %swap3A_258 : vector<1x1x16xf32> to vector<16xf32>
        %swap3A_260 = vector.shape_cast %get3A_253 : vector<16xf32> to vector<1x1x16xf32>
        tpu.vector_store %arg7[%swap3A_255, %swap3A_256, %swap3A_257], %swap3A_260 {strides = array<i32>} : memref<2x128x64xf32, #tpu.memory_space<vmem>>, vector<1x1x16xf32>,
        %get3A_261 = arith.constant 1 : i32
        %get3A_262 = arith.index_cast %get3A_261 : i32 to index
        %get3A_263 = arith.index_cast %add3A_221 : i32 to index
        %get3A_264 = arith.constant 48 : index
        %get3A_265 = tpu.vector_load %arg6[%get3A_262, %get3A_263, %get3A_264] {strides = array<i32>} : memref<2x128x128xf32, #tpu.memory_space<vmem>>, vector<1x1x16xf32>,
        %get3A_266 = vector.shape_cast %get3A_265 : vector<1x1x16xf32> to vector<16xf32>
        %swap3A_267 = arith.constant 1 : i32
        %swap3A_268 = arith.index_cast %swap3A_267 : i32 to index
        %swap3A_269 = arith.index_cast %add3A_221 : i32 to index
        %swap3A_270 = arith.constant 48 : index
        %swap3A_271 = tpu.vector_load %arg7[%swap3A_268, %swap3A_269, %swap3A_270] {strides = array<i32>} : memref<2x128x64xf32, #tpu.memory_space<vmem>>, vector<1x1x16xf32>,
        %swap3A_272 = vector.shape_cast %swap3A_271 : vector<1x1x16xf32> to vector<16xf32>
        %swap3A_273 = vector.shape_cast %get3A_266 : vector<16xf32> to vector<1x1x16xf32>
        tpu.vector_store %arg7[%swap3A_268, %swap3A_269, %swap3A_270], %swap3A_273 {strides = array<i32>} : memref<2x128x64xf32, #tpu.memory_space<vmem>>, vector<1x1x16xf32>,
        %mul3A_274 = arith.constant 8 : i32
        %mul3A_275 = arith.muli %scan3A_163, %mul3A_274 : i32
        %add3A_276 = arith.constant 2 : i32
        %add3A_277 = arith.addi %mul3A_275, %add3A_276 : i32
        %get3A_278 = arith.constant 1 : i32
        %get3A_279 = arith.index_cast %get3A_278 : i32 to index
        %get3A_280 = arith.index_cast %add3A_277 : i32 to index
        %get3A_281 = arith.constant 0 : index
        %get3A_282 = tpu.vector_load %arg6[%get3A_279, %get3A_280, %get3A_281] {strides = array<i32>} : memref<2x128x128xf32, #tpu.memory_space<vmem>>, vector<1x1x16xf32>,
        %get3A_283 = vector.shape_cast %get3A_282 : vector<1x1x16xf32> to vector<16xf32>
        %swap3A_284 = arith.constant 1 : i32
        %swap3A_285 = arith.index_cast %swap3A_284 : i32 to index
        %swap3A_286 = arith.index_cast %add3A_277 : i32 to index
        %swap3A_287 = arith.constant 0 : index
        %swap3A_288 = tpu.vector_load %arg7[%swap3A_285, %swap3A_286, %swap3A_287] {strides = array<i32>} : memref<2x128x64xf32, #tpu.memory_space<vmem>>, vector<1x1x16xf32>,
        %swap3A_289 = vector.shape_cast %swap3A_288 : vector<1x1x16xf32> to vector<16xf32>
        %swap3A_290 = vector.shape_cast %get3A_283 : vector<16xf32> to vector<1x1x16xf32>
        tpu.vector_store %arg7[%swap3A_285, %swap3A_286, %swap3A_287], %swap3A_290 {strides = array<i32>} : memref<2x128x64xf32, #tpu.memory_space<vmem>>, vector<1x1x16xf32>,
        %get3A_291 = arith.constant 1 : i32
        %get3A_292 = arith.index_cast %get3A_291 : i32 to index
        %get3A_293 = arith.index_cast %add3A_277 : i32 to index
        %get3A_294 = arith.constant 16 : index
        %get3A_295 = tpu.vector_load %arg6[%get3A_292, %get3A_293, %get3A_294] {strides = array<i32>} : memref<2x128x128xf32, #tpu.memory_space<vmem>>, vector<1x1x16xf32>,
        %get3A_296 = vector.shape_cast %get3A_295 : vector<1x1x16xf32> to vector<16xf32>
        %swap3A_297 = arith.constant 1 : i32
        %swap3A_298 = arith.index_cast %swap3A_297 : i32 to index
        %swap3A_299 = arith.index_cast %add3A_277 : i32 to index
        %swap3A_300 = arith.constant 16 : index
        %swap3A_301 = tpu.vector_load %arg7[%swap3A_298, %swap3A_299, %swap3A_300] {strides = array<i32>} : memref<2x128x64xf32, #tpu.memory_space<vmem>>, vector<1x1x16xf32>,
        %swap3A_302 = vector.shape_cast %swap3A_301 : vector<1x1x16xf32> to vector<16xf32>
        %swap3A_303 = vector.shape_cast %get3A_296 : vector<16xf32> to vector<1x1x16xf32>
        tpu.vector_store %arg7[%swap3A_298, %swap3A_299, %swap3A_300], %swap3A_303 {strides = array<i32>} : memref<2x128x64xf32, #tpu.memory_space<vmem>>, vector<1x1x16xf32>,
        %get3A_304 = arith.constant 1 : i32
        %get3A_305 = arith.index_cast %get3A_304 : i32 to index
        %get3A_306 = arith.index_cast %add3A_277 : i32 to index
        %get3A_307 = arith.constant 32 : index
        %get3A_308 = tpu.vector_load %arg6[%get3A_305, %get3A_306, %get3A_307] {strides = array<i32>} : memref<2x128x128xf32, #tpu.memory_space<vmem>>, vector<1x1x16xf32>,
        %get3A_309 = vector.shape_cast %get3A_308 : vector<1x1x16xf32> to vector<16xf32>
        %swap3A_310 = arith.constant 1 : i32
        %swap3A_311 = arith.index_cast %swap3A_310 : i32 to index
        %swap3A_312 = arith.index_cast %add3A_277 : i32 to index
        %swap3A_313 = arith.constant 32 : index
        %swap3A_314 = tpu.vector_load %arg7[%swap3A_311, %swap3A_312, %swap3A_313] {strides = array<i32>} : memref<2x128x64xf32, #tpu.memory_space<vmem>>, vector<1x1x16xf32>,
        %swap3A_315 = vector.shape_cast %swap3A_314 : vector<1x1x16xf32> to vector<16xf32>
        %swap3A_316 = vector.shape_cast %get3A_309 : vector<16xf32> to vector<1x1x16xf32>
        tpu.vector_store %arg7[%swap3A_311, %swap3A_312, %swap3A_313], %swap3A_316 {strides = array<i32>} : memref<2x128x64xf32, #tpu.memory_space<vmem>>, vector<1x1x16xf32>,
        %get3A_317 = arith.constant 1 : i32
        %get3A_318 = arith.index_cast %get3A_317 : i32 to index
        %get3A_319 = arith.index_cast %add3A_277 : i32 to index
        %get3A_320 = arith.constant 48 : index
        %get3A_321 = tpu.vector_load %arg6[%get3A_318, %get3A_319, %get3A_320] {strides = array<i32>} : memref<2x128x128xf32, #tpu.memory_space<vmem>>, vector<1x1x16xf32>,
        %get3A_322 = vector.shape_cast %get3A_321 : vector<1x1x16xf32> to vector<16xf32>
        %swap3A_323 = arith.constant 1 : i32
        %swap3A_324 = arith.index_cast %swap3A_323 : i32 to index
        %swap3A_325 = arith.index_cast %add3A_277 : i32 to index
        %swap3A_326 = arith.constant 48 : index
        %swap3A_327 = tpu.vector_load %arg7[%swap3A_324, %swap3A_325, %swap3A_326] {strides = array<i32>} : memref<2x128x64xf32, #tpu.memory_space<vmem>>, vector<1x1x16xf32>,
        %swap3A_328 = vector.shape_cast %swap3A_327 : vector<1x1x16xf32> to vector<16xf32>
        %swap3A_329 = vector.shape_cast %get3A_322 : vector<16xf32> to vector<1x1x16xf32>
        tpu.vector_store %arg7[%swap3A_324, %swap3A_325, %swap3A_326], %swap3A_329 {strides = array<i32>} : memref<2x128x64xf32, #tpu.memory_space<vmem>>, vector<1x1x16xf32>,
        %mul3A_330 = arith.constant 8 : i32
        %mul3A_331 = arith.muli %scan3A_163, %mul3A_330 : i32
        %add3A_332 = arith.constant 3 : i32
        %add3A_333 = arith.addi %mul3A_331, %add3A_332 : i32
        %get3A_334 = arith.constant 1 : i32
        %get3A_335 = arith.index_cast %get3A_334 : i32 to index
        %get3A_336 = arith.index_cast %add3A_333 : i32 to index
        %get3A_337 = arith.constant 0 : index
        %get3A_338 = tpu.vector_load %arg6[%get3A_335, %get3A_336, %get3A_337] {strides = array<i32>} : memref<2x128x128xf32, #tpu.memory_space<vmem>>, vector<1x1x16xf32>,
        %get3A_339 = vector.shape_cast %get3A_338 : vector<1x1x16xf32> to vector<16xf32>
        %swap3A_340 = arith.constant 1 : i32
        %swap3A_341 = arith.index_cast %swap3A_340 : i32 to index
        %swap3A_342 = arith.index_cast %add3A_333 : i32 to index
        %swap3A_343 = arith.constant 0 : index
        %swap3A_344 = tpu.vector_load %arg7[%swap3A_341, %swap3A_342, %swap3A_343] {strides = array<i32>} : memref<2x128x64xf32, #tpu.memory_space<vmem>>, vector<1x1x16xf32>,
        %swap3A_345 = vector.shape_cast %swap3A_344 : vector<1x1x16xf32> to vector<16xf32>
        %swap3A_346 = vector.shape_cast %get3A_339 : vector<16xf32> to vector<1x1x16xf32>
        tpu.vector_store %arg7[%swap3A_341, %swap3A_342, %swap3A_343], %swap3A_346 {strides = array<i32>} : memref<2x128x64xf32, #tpu.memory_space<vmem>>, vector<1x1x16xf32>,
        %get3A_347 = arith.constant 1 : i32
        %get3A_348 = arith.index_cast %get3A_347 : i32 to index
        %get3A_349 = arith.index_cast %add3A_333 : i32 to index
        %get3A_350 = arith.constant 16 : index
        %get3A_351 = tpu.vector_load %arg6[%get3A_348, %get3A_349, %get3A_350] {strides = array<i32>} : memref<2x128x128xf32, #tpu.memory_space<vmem>>, vector<1x1x16xf32>,
        %get3A_352 = vector.shape_cast %get3A_351 : vector<1x1x16xf32> to vector<16xf32>
        %swap3A_353 = arith.constant 1 : i32
        %swap3A_354 = arith.index_cast %swap3A_353 : i32 to index
        %swap3A_355 = arith.index_cast %add3A_333 : i32 to index
        %swap3A_356 = arith.constant 16 : index
        %swap3A_357 = tpu.vector_load %arg7[%swap3A_354, %swap3A_355, %swap3A_356] {strides = array<i32>} : memref<2x128x64xf32, #tpu.memory_space<vmem>>, vector<1x1x16xf32>,
        %swap3A_358 = vector.shape_cast %swap3A_357 : vector<1x1x16xf32> to vector<16xf32>
        %swap3A_359 = vector.shape_cast %get3A_352 : vector<16xf32> to vector<1x1x16xf32>
        tpu.vector_store %arg7[%swap3A_354, %swap3A_355, %swap3A_356], %swap3A_359 {strides = array<i32>} : memref<2x128x64xf32, #tpu.memory_space<vmem>>, vector<1x1x16xf32>,
        %get3A_360 = arith.constant 1 : i32
        %get3A_361 = arith.index_cast %get3A_360 : i32 to index
        %get3A_362 = arith.index_cast %add3A_333 : i32 to index
        %get3A_363 = arith.constant 32 : index
        %get3A_364 = tpu.vector_load %arg6[%get3A_361, %get3A_362, %get3A_363] {strides = array<i32>} : memref<2x128x128xf32, #tpu.memory_space<vmem>>, vector<1x1x16xf32>,
        %get3A_365 = vector.shape_cast %get3A_364 : vector<1x1x16xf32> to vector<16xf32>
        %swap3A_366 = arith.constant 1 : i32
        %swap3A_367 = arith.index_cast %swap3A_366 : i32 to index
        %swap3A_368 = arith.index_cast %add3A_333 : i32 to index
        %swap3A_369 = arith.constant 32 : index
        %swap3A_370 = tpu.vector_load %arg7[%swap3A_367, %swap3A_368, %swap3A_369] {strides = array<i32>} : memref<2x128x64xf32, #tpu.memory_space<vmem>>, vector<1x1x16xf32>,
        %swap3A_371 = vector.shape_cast %swap3A_370 : vector<1x1x16xf32> to vector<16xf32>
        %swap3A_372 = vector.shape_cast %get3A_365 : vector<16xf32> to vector<1x1x16xf32>
        tpu.vector_store %arg7[%swap3A_367, %swap3A_368, %swap3A_369], %swap3A_372 {strides = array<i32>} : memref<2x128x64xf32, #tpu.memory_space<vmem>>, vector<1x1x16xf32>,
        %get3A_373 = arith.constant 1 : i32
        %get3A_374 = arith.index_cast %get3A_373 : i32 to index
        %get3A_375 = arith.index_cast %add3A_333 : i32 to index
        %get3A_376 = arith.constant 48 : index
        %get3A_377 = tpu.vector_load %arg6[%get3A_374, %get3A_375, %get3A_376] {strides = array<i32>} : memref<2x128x128xf32, #tpu.memory_space<vmem>>, vector<1x1x16xf32>,
        %get3A_378 = vector.shape_cast %get3A_377 : vector<1x1x16xf32> to vector<16xf32>
        %swap3A_379 = arith.constant 1 : i32
        %swap3A_380 = arith.index_cast %swap3A_379 : i32 to index
        %swap3A_381 = arith.index_cast %add3A_333 : i32 to index
        %swap3A_382 = arith.constant 48 : index
        %swap3A_383 = tpu.vector_load %arg7[%swap3A_380, %swap3A_381, %swap3A_382] {strides = array<i32>} : memref<2x128x64xf32, #tpu.memory_space<vmem>>, vector<1x1x16xf32>,
        %swap3A_384 = vector.shape_cast %swap3A_383 : vector<1x1x16xf32> to vector<16xf32>
        %swap3A_385 = vector.shape_cast %get3A_378 : vector<16xf32> to vector<1x1x16xf32>
        tpu.vector_store %arg7[%swap3A_380, %swap3A_381, %swap3A_382], %swap3A_385 {strides = array<i32>} : memref<2x128x64xf32, #tpu.memory_space<vmem>>, vector<1x1x16xf32>,
        %mul3A_386 = arith.constant 8 : i32
        %mul3A_387 = arith.muli %scan3A_163, %mul3A_386 : i32
        %add3A_388 = arith.constant 4 : i32
        %add3A_389 = arith.addi %mul3A_387, %add3A_388 : i32
        %get3A_390 = arith.constant 1 : i32
        %get3A_391 = arith.index_cast %get3A_390 : i32 to index
        %get3A_392 = arith.index_cast %add3A_389 : i32 to index
        %get3A_393 = arith.constant 0 : index
        %get3A_394 = tpu.vector_load %arg6[%get3A_391, %get3A_392, %get3A_393] {strides = array<i32>} : memref<2x128x128xf32, #tpu.memory_space<vmem>>, vector<1x1x16xf32>,
        %get3A_395 = vector.shape_cast %get3A_394 : vector<1x1x16xf32> to vector<16xf32>
        %swap3A_396 = arith.constant 1 : i32
        %swap3A_397 = arith.index_cast %swap3A_396 : i32 to index
        %swap3A_398 = arith.index_cast %add3A_389 : i32 to index
        %swap3A_399 = arith.constant 0 : index
        %swap3A_400 = tpu.vector_load %arg7[%swap3A_397, %swap3A_398, %swap3A_399] {strides = array<i32>} : memref<2x128x64xf32, #tpu.memory_space<vmem>>, vector<1x1x16xf32>,
        %swap3A_401 = vector.shape_cast %swap3A_400 : vector<1x1x16xf32> to vector<16xf32>
        %swap3A_402 = vector.shape_cast %get3A_395 : vector<16xf32> to vector<1x1x16xf32>
        tpu.vector_store %arg7[%swap3A_397, %swap3A_398, %swap3A_399], %swap3A_402 {strides = array<i32>} : memref<2x128x64xf32, #tpu.memory_space<vmem>>, vector<1x1x16xf32>,
        %get3A_403 = arith.constant 1 : i32
        %get3A_404 = arith.index_cast %get3A_403 : i32 to index
        %get3A_405 = arith.index_cast %add3A_389 : i32 to index
        %get3A_406 = arith.constant 16 : index
        %get3A_407 = tpu.vector_load %arg6[%get3A_404, %get3A_405, %get3A_406] {strides = array<i32>} : memref<2x128x128xf32, #tpu.memory_space<vmem>>, vector<1x1x16xf32>,
        %get3A_408 = vector.shape_cast %get3A_407 : vector<1x1x16xf32> to vector<16xf32>
        %swap3A_409 = arith.constant 1 : i32
        %swap3A_410 = arith.index_cast %swap3A_409 : i32 to index
        %swap3A_411 = arith.index_cast %add3A_389 : i32 to index
        %swap3A_412 = arith.constant 16 : index
        %swap3A_413 = tpu.vector_load %arg7[%swap3A_410, %swap3A_411, %swap3A_412] {strides = array<i32>} : memref<2x128x64xf32, #tpu.memory_space<vmem>>, vector<1x1x16xf32>,
        %swap3A_414 = vector.shape_cast %swap3A_413 : vector<1x1x16xf32> to vector<16xf32>
        %swap3A_415 = vector.shape_cast %get3A_408 : vector<16xf32> to vector<1x1x16xf32>
        tpu.vector_store %arg7[%swap3A_410, %swap3A_411, %swap3A_412], %swap3A_415 {strides = array<i32>} : memref<2x128x64xf32, #tpu.memory_space<vmem>>, vector<1x1x16xf32>,
        %get3A_416 = arith.constant 1 : i32
        %get3A_417 = arith.index_cast %get3A_416 : i32 to index
        %get3A_418 = arith.index_cast %add3A_389 : i32 to index
        %get3A_419 = arith.constant 32 : index
        %get3A_420 = tpu.vector_load %arg6[%get3A_417, %get3A_418, %get3A_419] {strides = array<i32>} : memref<2x128x128xf32, #tpu.memory_space<vmem>>, vector<1x1x16xf32>,
        %get3A_421 = vector.shape_cast %get3A_420 : vector<1x1x16xf32> to vector<16xf32>
        %swap3A_422 = arith.constant 1 : i32
        %swap3A_423 = arith.index_cast %swap3A_422 : i32 to index
        %swap3A_424 = arith.index_cast %add3A_389 : i32 to index
        %swap3A_425 = arith.constant 32 : index
        %swap3A_426 = tpu.vector_load %arg7[%swap3A_423, %swap3A_424, %swap3A_425] {strides = array<i32>} : memref<2x128x64xf32, #tpu.memory_space<vmem>>, vector<1x1x16xf32>,
        %swap3A_427 = vector.shape_cast %swap3A_426 : vector<1x1x16xf32> to vector<16xf32>
        %swap3A_428 = vector.shape_cast %get3A_421 : vector<16xf32> to vector<1x1x16xf32>
        tpu.vector_store %arg7[%swap3A_423, %swap3A_424, %swap3A_425], %swap3A_428 {strides = array<i32>} : memref<2x128x64xf32, #tpu.memory_space<vmem>>, vector<1x1x16xf32>,
        %get3A_429 = arith.constant 1 : i32
        %get3A_430 = arith.index_cast %get3A_429 : i32 to index
        %get3A_431 = arith.index_cast %add3A_389 : i32 to index
        %get3A_432 = arith.constant 48 : index
        %get3A_433 = tpu.vector_load %arg6[%get3A_430, %get3A_431, %get3A_432] {strides = array<i32>} : memref<2x128x128xf32, #tpu.memory_space<vmem>>, vector<1x1x16xf32>,
        %get3A_434 = vector.shape_cast %get3A_433 : vector<1x1x16xf32> to vector<16xf32>
        %swap3A_435 = arith.constant 1 : i32
        %swap3A_436 = arith.index_cast %swap3A_435 : i32 to index
        %swap3A_437 = arith.index_cast %add3A_389 : i32 to index
        %swap3A_438 = arith.constant 48 : index
        %swap3A_439 = tpu.vector_load %arg7[%swap3A_436, %swap3A_437, %swap3A_438] {strides = array<i32>} : memref<2x128x64xf32, #tpu.memory_space<vmem>>, vector<1x1x16xf32>,
        %swap3A_440 = vector.shape_cast %swap3A_439 : vector<1x1x16xf32> to vector<16xf32>
        %swap3A_441 = vector.shape_cast %get3A_434 : vector<16xf32> to vector<1x1x16xf32>
        tpu.vector_store %arg7[%swap3A_436, %swap3A_437, %swap3A_438], %swap3A_441 {strides = array<i32>} : memref<2x128x64xf32, #tpu.memory_space<vmem>>, vector<1x1x16xf32>,
        %mul3A_442 = arith.constant 8 : i32
        %mul3A_443 = arith.muli %scan3A_163, %mul3A_442 : i32
        %add3A_444 = arith.constant 5 : i32
        %add3A_445 = arith.addi %mul3A_443, %add3A_444 : i32
        %get3A_446 = arith.constant 1 : i32
        %get3A_447 = arith.index_cast %get3A_446 : i32 to index
        %get3A_448 = arith.index_cast %add3A_445 : i32 to index
        %get3A_449 = arith.constant 0 : index
        %get3A_450 = tpu.vector_load %arg6[%get3A_447, %get3A_448, %get3A_449] {strides = array<i32>} : memref<2x128x128xf32, #tpu.memory_space<vmem>>, vector<1x1x16xf32>,
        %get3A_451 = vector.shape_cast %get3A_450 : vector<1x1x16xf32> to vector<16xf32>
        %swap3A_452 = arith.constant 1 : i32
        %swap3A_453 = arith.index_cast %swap3A_452 : i32 to index
        %swap3A_454 = arith.index_cast %add3A_445 : i32 to index
        %swap3A_455 = arith.constant 0 : index
        %swap3A_456 = tpu.vector_load %arg7[%swap3A_453, %swap3A_454, %swap3A_455] {strides = array<i32>} : memref<2x128x64xf32, #tpu.memory_space<vmem>>, vector<1x1x16xf32>,
        %swap3A_457 = vector.shape_cast %swap3A_456 : vector<1x1x16xf32> to vector<16xf32>
        %swap3A_458 = vector.shape_cast %get3A_451 : vector<16xf32> to vector<1x1x16xf32>
        tpu.vector_store %arg7[%swap3A_453, %swap3A_454, %swap3A_455], %swap3A_458 {strides = array<i32>} : memref<2x128x64xf32, #tpu.memory_space<vmem>>, vector<1x1x16xf32>,
        %get3A_459 = arith.constant 1 : i32
        %get3A_460 = arith.index_cast %get3A_459 : i32 to index
        %get3A_461 = arith.index_cast %add3A_445 : i32 to index
        %get3A_462 = arith.constant 16 : index
        %get3A_463 = tpu.vector_load %arg6[%get3A_460, %get3A_461, %get3A_462] {strides = array<i32>} : memref<2x128x128xf32, #tpu.memory_space<vmem>>, vector<1x1x16xf32>,
        %get3A_464 = vector.shape_cast %get3A_463 : vector<1x1x16xf32> to vector<16xf32>
        %swap3A_465 = arith.constant 1 : i32
        %swap3A_466 = arith.index_cast %swap3A_465 : i32 to index
        %swap3A_467 = arith.index_cast %add3A_445 : i32 to index
        %swap3A_468 = arith.constant 16 : index
        %swap3A_469 = tpu.vector_load %arg7[%swap3A_466, %swap3A_467, %swap3A_468] {strides = array<i32>} : memref<2x128x64xf32, #tpu.memory_space<vmem>>, vector<1x1x16xf32>,
        %swap3A_470 = vector.shape_cast %swap3A_469 : vector<1x1x16xf32> to vector<16xf32>
        %swap3A_471 = vector.shape_cast %get3A_464 : vector<16xf32> to vector<1x1x16xf32>
        tpu.vector_store %arg7[%swap3A_466, %swap3A_467, %swap3A_468], %swap3A_471 {strides = array<i32>} : memref<2x128x64xf32, #tpu.memory_space<vmem>>, vector<1x1x16xf32>,
        %get3A_472 = arith.constant 1 : i32
        %get3A_473 = arith.index_cast %get3A_472 : i32 to index
        %get3A_474 = arith.index_cast %add3A_445 : i32 to index
        %get3A_475 = arith.constant 32 : index
        %get3A_476 = tpu.vector_load %arg6[%get3A_473, %get3A_474, %get3A_475] {strides = array<i32>} : memref<2x128x128xf32, #tpu.memory_space<vmem>>, vector<1x1x16xf32>,
        %get3A_477 = vector.shape_cast %get3A_476 : vector<1x1x16xf32> to vector<16xf32>
        %swap3A_478 = arith.constant 1 : i32
        %swap3A_479 = arith.index_cast %swap3A_478 : i32 to index
        %swap3A_480 = arith.index_cast %add3A_445 : i32 to index
        %swap3A_481 = arith.constant 32 : index
        %swap3A_482 = tpu.vector_load %arg7[%swap3A_479, %swap3A_480, %swap3A_481] {strides = array<i32>} : memref<2x128x64xf32, #tpu.memory_space<vmem>>, vector<1x1x16xf32>,
        %swap3A_483 = vector.shape_cast %swap3A_482 : vector<1x1x16xf32> to vector<16xf32>
        %swap3A_484 = vector.shape_cast %get3A_477 : vector<16xf32> to vector<1x1x16xf32>
        tpu.vector_store %arg7[%swap3A_479, %swap3A_480, %swap3A_481], %swap3A_484 {strides = array<i32>} : memref<2x128x64xf32, #tpu.memory_space<vmem>>, vector<1x1x16xf32>,
        %get3A_485 = arith.constant 1 : i32
        %get3A_486 = arith.index_cast %get3A_485 : i32 to index
        %get3A_487 = arith.index_cast %add3A_445 : i32 to index
        %get3A_488 = arith.constant 48 : index
        %get3A_489 = tpu.vector_load %arg6[%get3A_486, %get3A_487, %get3A_488] {strides = array<i32>} : memref<2x128x128xf32, #tpu.memory_space<vmem>>, vector<1x1x16xf32>,
        %get3A_490 = vector.shape_cast %get3A_489 : vector<1x1x16xf32> to vector<16xf32>
        %swap3A_491 = arith.constant 1 : i32
        %swap3A_492 = arith.index_cast %swap3A_491 : i32 to index
        %swap3A_493 = arith.index_cast %add3A_445 : i32 to index
        %swap3A_494 = arith.constant 48 : index
        %swap3A_495 = tpu.vector_load %arg7[%swap3A_492, %swap3A_493, %swap3A_494] {strides = array<i32>} : memref<2x128x64xf32, #tpu.memory_space<vmem>>, vector<1x1x16xf32>,
        %swap3A_496 = vector.shape_cast %swap3A_495 : vector<1x1x16xf32> to vector<16xf32>
        %swap3A_497 = vector.shape_cast %get3A_490 : vector<16xf32> to vector<1x1x16xf32>
        tpu.vector_store %arg7[%swap3A_492, %swap3A_493, %swap3A_494], %swap3A_497 {strides = array<i32>} : memref<2x128x64xf32, #tpu.memory_space<vmem>>, vector<1x1x16xf32>,
        %mul3A_498 = arith.constant 8 : i32
        %mul3A_499 = arith.muli %scan3A_163, %mul3A_498 : i32
        %add3A_500 = arith.constant 6 : i32
        %add3A_501 = arith.addi %mul3A_499, %add3A_500 : i32
        %get3A_502 = arith.constant 1 : i32
        %get3A_503 = arith.index_cast %get3A_502 : i32 to index
        %get3A_504 = arith.index_cast %add3A_501 : i32 to index
        %get3A_505 = arith.constant 0 : index
        %get3A_506 = tpu.vector_load %arg6[%get3A_503, %get3A_504, %get3A_505] {strides = array<i32>} : memref<2x128x128xf32, #tpu.memory_space<vmem>>, vector<1x1x16xf32>,
        %get3A_507 = vector.shape_cast %get3A_506 : vector<1x1x16xf32> to vector<16xf32>
        %swap3A_508 = arith.constant 1 : i32
        %swap3A_509 = arith.index_cast %swap3A_508 : i32 to index
        %swap3A_510 = arith.index_cast %add3A_501 : i32 to index
        %swap3A_511 = arith.constant 0 : index
        %swap3A_512 = tpu.vector_load %arg7[%swap3A_509, %swap3A_510, %swap3A_511] {strides = array<i32>} : memref<2x128x64xf32, #tpu.memory_space<vmem>>, vector<1x1x16xf32>,
        %swap3A_513 = vector.shape_cast %swap3A_512 : vector<1x1x16xf32> to vector<16xf32>
        %swap3A_514 = vector.shape_cast %get3A_507 : vector<16xf32> to vector<1x1x16xf32>
        tpu.vector_store %arg7[%swap3A_509, %swap3A_510, %swap3A_511], %swap3A_514 {strides = array<i32>} : memref<2x128x64xf32, #tpu.memory_space<vmem>>, vector<1x1x16xf32>,
        %get3A_515 = arith.constant 1 : i32
        %get3A_516 = arith.index_cast %get3A_515 : i32 to index
        %get3A_517 = arith.index_cast %add3A_501 : i32 to index
        %get3A_518 = arith.constant 16 : index
        %get3A_519 = tpu.vector_load %arg6[%get3A_516, %get3A_517, %get3A_518] {strides = array<i32>} : memref<2x128x128xf32, #tpu.memory_space<vmem>>, vector<1x1x16xf32>,
        %get3A_520 = vector.shape_cast %get3A_519 : vector<1x1x16xf32> to vector<16xf32>
        %swap3A_521 = arith.constant 1 : i32
        %swap3A_522 = arith.index_cast %swap3A_521 : i32 to index
        %swap3A_523 = arith.index_cast %add3A_501 : i32 to index
        %swap3A_524 = arith.constant 16 : index
        %swap3A_525 = tpu.vector_load %arg7[%swap3A_522, %swap3A_523, %swap3A_524] {strides = array<i32>} : memref<2x128x64xf32, #tpu.memory_space<vmem>>, vector<1x1x16xf32>,
        %swap3A_526 = vector.shape_cast %swap3A_525 : vector<1x1x16xf32> to vector<16xf32>
        %swap3A_527 = vector.shape_cast %get3A_520 : vector<16xf32> to vector<1x1x16xf32>
        tpu.vector_store %arg7[%swap3A_522, %swap3A_523, %swap3A_524], %swap3A_527 {strides = array<i32>} : memref<2x128x64xf32, #tpu.memory_space<vmem>>, vector<1x1x16xf32>,
        %get3A_528 = arith.constant 1 : i32
        %get3A_529 = arith.index_cast %get3A_528 : i32 to index
        %get3A_530 = arith.index_cast %add3A_501 : i32 to index
        %get3A_531 = arith.constant 32 : index
        %get3A_532 = tpu.vector_load %arg6[%get3A_529, %get3A_530, %get3A_531] {strides = array<i32>} : memref<2x128x128xf32, #tpu.memory_space<vmem>>, vector<1x1x16xf32>,
        %get3A_533 = vector.shape_cast %get3A_532 : vector<1x1x16xf32> to vector<16xf32>
        %swap3A_534 = arith.constant 1 : i32
        %swap3A_535 = arith.index_cast %swap3A_534 : i32 to index
        %swap3A_536 = arith.index_cast %add3A_501 : i32 to index
        %swap3A_537 = arith.constant 32 : index
        %swap3A_538 = tpu.vector_load %arg7[%swap3A_535, %swap3A_536, %swap3A_537] {strides = array<i32>} : memref<2x128x64xf32, #tpu.memory_space<vmem>>, vector<1x1x16xf32>,
        %swap3A_539 = vector.shape_cast %swap3A_538 : vector<1x1x16xf32> to vector<16xf32>
        %swap3A_540 = vector.shape_cast %get3A_533 : vector<16xf32> to vector<1x1x16xf32>
        tpu.vector_store %arg7[%swap3A_535, %swap3A_536, %swap3A_537], %swap3A_540 {strides = array<i32>} : memref<2x128x64xf32, #tpu.memory_space<vmem>>, vector<1x1x16xf32>,
        %get3A_541 = arith.constant 1 : i32
        %get3A_542 = arith.index_cast %get3A_541 : i32 to index
        %get3A_543 = arith.index_cast %add3A_501 : i32 to index
        %get3A_544 = arith.constant 48 : index
        %get3A_545 = tpu.vector_load %arg6[%get3A_542, %get3A_543, %get3A_544] {strides = array<i32>} : memref<2x128x128xf32, #tpu.memory_space<vmem>>, vector<1x1x16xf32>,
        %get3A_546 = vector.shape_cast %get3A_545 : vector<1x1x16xf32> to vector<16xf32>
        %swap3A_547 = arith.constant 1 : i32
        %swap3A_548 = arith.index_cast %swap3A_547 : i32 to index
        %swap3A_549 = arith.index_cast %add3A_501 : i32 to index
        %swap3A_550 = arith.constant 48 : index
        %swap3A_551 = tpu.vector_load %arg7[%swap3A_548, %swap3A_549, %swap3A_550] {strides = array<i32>} : memref<2x128x64xf32, #tpu.memory_space<vmem>>, vector<1x1x16xf32>,
        %swap3A_552 = vector.shape_cast %swap3A_551 : vector<1x1x16xf32> to vector<16xf32>
        %swap3A_553 = vector.shape_cast %get3A_546 : vector<16xf32> to vector<1x1x16xf32>
        tpu.vector_store %arg7[%swap3A_548, %swap3A_549, %swap3A_550], %swap3A_553 {strides = array<i32>} : memref<2x128x64xf32, #tpu.memory_space<vmem>>, vector<1x1x16xf32>,
        %mul3A_554 = arith.constant 8 : i32
        %mul3A_555 = arith.muli %scan3A_163, %mul3A_554 : i32
        %add3A_556 = arith.constant 7 : i32
        %add3A_557 = arith.addi %mul3A_555, %add3A_556 : i32
        %get3A_558 = arith.constant 1 : i32
        %get3A_559 = arith.index_cast %get3A_558 : i32 to index
        %get3A_560 = arith.index_cast %add3A_557 : i32 to index
        %get3A_561 = arith.constant 0 : index
        %get3A_562 = tpu.vector_load %arg6[%get3A_559, %get3A_560, %get3A_561] {strides = array<i32>} : memref<2x128x128xf32, #tpu.memory_space<vmem>>, vector<1x1x16xf32>,
        %get3A_563 = vector.shape_cast %get3A_562 : vector<1x1x16xf32> to vector<16xf32>
        %swap3A_564 = arith.constant 1 : i32
        %swap3A_565 = arith.index_cast %swap3A_564 : i32 to index
        %swap3A_566 = arith.index_cast %add3A_557 : i32 to index
        %swap3A_567 = arith.constant 0 : index
        %swap3A_568 = tpu.vector_load %arg7[%swap3A_565, %swap3A_566, %swap3A_567] {strides = array<i32>} : memref<2x128x64xf32, #tpu.memory_space<vmem>>, vector<1x1x16xf32>,
        %swap3A_569 = vector.shape_cast %swap3A_568 : vector<1x1x16xf32> to vector<16xf32>
        %swap3A_570 = vector.shape_cast %get3A_563 : vector<16xf32> to vector<1x1x16xf32>
        tpu.vector_store %arg7[%swap3A_565, %swap3A_566, %swap3A_567], %swap3A_570 {strides = array<i32>} : memref<2x128x64xf32, #tpu.memory_space<vmem>>, vector<1x1x16xf32>,
        %get3A_571 = arith.constant 1 : i32
        %get3A_572 = arith.index_cast %get3A_571 : i32 to index
        %get3A_573 = arith.index_cast %add3A_557 : i32 to index
        %get3A_574 = arith.constant 16 : index
        %get3A_575 = tpu.vector_load %arg6[%get3A_572, %get3A_573, %get3A_574] {strides = array<i32>} : memref<2x128x128xf32, #tpu.memory_space<vmem>>, vector<1x1x16xf32>,
        %get3A_576 = vector.shape_cast %get3A_575 : vector<1x1x16xf32> to vector<16xf32>
        %swap3A_577 = arith.constant 1 : i32
        %swap3A_578 = arith.index_cast %swap3A_577 : i32 to index
        %swap3A_579 = arith.index_cast %add3A_557 : i32 to index
        %swap3A_580 = arith.constant 16 : index
        %swap3A_581 = tpu.vector_load %arg7[%swap3A_578, %swap3A_579, %swap3A_580] {strides = array<i32>} : memref<2x128x64xf32, #tpu.memory_space<vmem>>, vector<1x1x16xf32>,
        %swap3A_582 = vector.shape_cast %swap3A_581 : vector<1x1x16xf32> to vector<16xf32>
        %swap3A_583 = vector.shape_cast %get3A_576 : vector<16xf32> to vector<1x1x16xf32>
        tpu.vector_store %arg7[%swap3A_578, %swap3A_579, %swap3A_580], %swap3A_583 {strides = array<i32>} : memref<2x128x64xf32, #tpu.memory_space<vmem>>, vector<1x1x16xf32>,
        %get3A_584 = arith.constant 1 : i32
        %get3A_585 = arith.index_cast %get3A_584 : i32 to index
        %get3A_586 = arith.index_cast %add3A_557 : i32 to index
        %get3A_587 = arith.constant 32 : index
        %get3A_588 = tpu.vector_load %arg6[%get3A_585, %get3A_586, %get3A_587] {strides = array<i32>} : memref<2x128x128xf32, #tpu.memory_space<vmem>>, vector<1x1x16xf32>,
        %get3A_589 = vector.shape_cast %get3A_588 : vector<1x1x16xf32> to vector<16xf32>
        %swap3A_590 = arith.constant 1 : i32
        %swap3A_591 = arith.index_cast %swap3A_590 : i32 to index
        %swap3A_592 = arith.index_cast %add3A_557 : i32 to index
        %swap3A_593 = arith.constant 32 : index
        %swap3A_594 = tpu.vector_load %arg7[%swap3A_591, %swap3A_592, %swap3A_593] {strides = array<i32>} : memref<2x128x64xf32, #tpu.memory_space<vmem>>, vector<1x1x16xf32>,
        %swap3A_595 = vector.shape_cast %swap3A_594 : vector<1x1x16xf32> to vector<16xf32>
        %swap3A_596 = vector.shape_cast %get3A_589 : vector<16xf32> to vector<1x1x16xf32>
        tpu.vector_store %arg7[%swap3A_591, %swap3A_592, %swap3A_593], %swap3A_596 {strides = array<i32>} : memref<2x128x64xf32, #tpu.memory_space<vmem>>, vector<1x1x16xf32>,
        %get3A_597 = arith.constant 1 : i32
        %get3A_598 = arith.index_cast %get3A_597 : i32 to index
        %get3A_599 = arith.index_cast %add3A_557 : i32 to index
        %get3A_600 = arith.constant 48 : index
        %get3A_601 = tpu.vector_load %arg6[%get3A_598, %get3A_599, %get3A_600] {strides = array<i32>} : memref<2x128x128xf32, #tpu.memory_space<vmem>>, vector<1x1x16xf32>,
        %get3A_602 = vector.shape_cast %get3A_601 : vector<1x1x16xf32> to vector<16xf32>
        %swap3A_603 = arith.constant 1 : i32
        %swap3A_604 = arith.index_cast %swap3A_603 : i32 to index
        %swap3A_605 = arith.index_cast %add3A_557 : i32 to index
        %swap3A_606 = arith.constant 48 : index
        %swap3A_607 = tpu.vector_load %arg7[%swap3A_604, %swap3A_605, %swap3A_606] {strides = array<i32>} : memref<2x128x64xf32, #tpu.memory_space<vmem>>, vector<1x1x16xf32>,
        %swap3A_608 = vector.shape_cast %swap3A_607 : vector<1x1x16xf32> to vector<16xf32>
        %swap3A_609 = vector.shape_cast %get3A_602 : vector<16xf32> to vector<1x1x16xf32>
        tpu.vector_store %arg7[%swap3A_604, %swap3A_605, %swap3A_606], %swap3A_609 {strides = array<i32>} : memref<2x128x64xf32, #tpu.memory_space<vmem>>, vector<1x1x16xf32>,
      }
      %scan3A_139 = arith.constant 16 : i32
      %add3A_140 = arith.constant 2 : i32
      %add3A_141 = arith.addi %add3A_113, %add3A_140 : i32
      %lt3A_142 = arith.constant 200 : i32
      %lt3A_143 = arith.cmpi slt, %add3A_141, %lt3A_142 : i32
      %convert_element_type3A_144 = arith.extui %lt3A_143 : i1 to i32
      %cond3A_145 = arith.constant 0 : i32
      %cond3A_146 = arith.cmpi ne, %convert_element_type3A_144, %cond3A_145 : i32
      scf.if %cond3A_146 {
        %add3A_163 = arith.constant 2 : i32
        %add3A_164 = arith.addi %add3A_113, %add3A_163 : i32
        %dma_start3A_165 = arith.constant 1 : i32
        %dma_start3A_166 = arith.constant 0 : i32
        %dma_start3A_167 = arith.constant 0 : i32
        %dma_start3A_168 = tpu.memref_slice %arg6[%dma_start3A_165, %dma_start3A_166, %dma_start3A_167] : memref<2x128x128xf32, #tpu.memory_space<vmem>> -> memref<1x128x128xf32, #tpu.memory_space<vmem>>
        %dma_start3A_169 = tpu.memref_squeeze %dma_start3A_168 : memref<1x128x128xf32, #tpu.memory_space<vmem>> -> memref<128x128xf32, #tpu.memory_space<vmem>>
        %dma_start3A_170 = arith.constant 0 : i32
        %dma_start3A_171 = tpu.memref_slice %arg5[%add3A_164, %dma_start3A_170] : memref<200x128xi32, #tpu.memory_space<vmem>> -> memref<1x128xi32, #tpu.memory_space<vmem>>
        %dma_start3A_172 = tpu.memref_squeeze %dma_start3A_171 : memref<1x128xi32, #tpu.memory_space<vmem>> -> memref<128xi32, #tpu.memory_space<vmem>>
        %dma_start3A_173 = arith.constant 0 : i32
        %dma_start3A_174 = arith.constant 0 : i32
        %dma_start3A_175 = tpu.memref_slice %arg3[%dma_start3A_173, %dma_start3A_174] : memref<100000x128xf32, #tpu.memory_space<hbm>> -> memref<100000x128xf32, #tpu.memory_space<hbm>>
        tpu.enqueue_indirect_dma source(%dma_start3A_175 : memref<100000x128xf32, #tpu.memory_space<hbm>>) target(%dma_start3A_169 : memref<128x128xf32, #tpu.memory_space<vmem>>) offsets(%dma_start3A_172 : memref<128xi32, #tpu.memory_space<vmem>>) semaphore(%arg9 : memref<!tpu.dma_semaphore, #tpu.memory_space<semaphore_mem>>)
      } else {
      }
      %mul3A_147 = arith.constant 128 : i32
      %mul3A_148 = arith.muli %add3A_113, %mul3A_147 : i32
      %add3A_149 = arith.addi %mul3A_2, %mul3A_148 : i32
      %dma_start3A_150 = arith.constant 1 : i32
      %dma_start3A_151 = arith.constant 0 : i32
      %dma_start3A_152 = arith.constant 0 : i32
      %dma_start3A_153 = tpu.memref_slice %arg7[%dma_start3A_150, %dma_start3A_151, %dma_start3A_152] : memref<2x128x64xf32, #tpu.memory_space<vmem>> -> memref<1x128x64xf32, #tpu.memory_space<vmem>>
      %dma_start3A_154 = tpu.memref_squeeze %dma_start3A_153 : memref<1x128x64xf32, #tpu.memory_space<vmem>> -> memref<128x64xf32, #tpu.memory_space<vmem>>
      %dma_start3A_155 = arith.constant 0 : i32
      %dma_start3A_156 = tpu.memref_slice %arg4[%add3A_149, %dma_start3A_155] : memref<819200x64xf32, #tpu.memory_space<hbm>> -> memref<128x64xf32, #tpu.memory_space<hbm>>
      %dma_start3A_157 = arith.constant 0 : i32
      %dma_start3A_158 = tpu.memref_slice %arg4[%add3A_149, %dma_start3A_157] : memref<819200x64xf32, #tpu.memory_space<hbm>> -> memref<128x64xf32, #tpu.memory_space<hbm>>
      %dma_start3A_159 = arith.constant 0 : i32
      %dma_start3A_160 = arith.constant 0 : i32
      %dma_start3A_161 = tpu.memref_slice %arg7[%dma_start3A_150, %dma_start3A_159, %dma_start3A_160] : memref<2x128x64xf32, #tpu.memory_space<vmem>> -> memref<1x128x64xf32, #tpu.memory_space<vmem>>
      %dma_start3A_162 = tpu.memref_squeeze %dma_start3A_161 : memref<1x128x64xf32, #tpu.memory_space<vmem>> -> memref<128x64xf32, #tpu.memory_space<vmem>>
      tpu.enqueue_dma source(%dma_start3A_162 : memref<128x64xf32, #tpu.memory_space<vmem>>) target(%dma_start3A_158 : memref<128x64xf32, #tpu.memory_space<hbm>>) target_semaphore(%arg11 : memref<!tpu.dma_semaphore, #tpu.memory_space<semaphore_mem>>)
    }
    %scan3A_30 = arith.constant 100 : i32
    %dma_wait3A = arith.constant 0 : i32
    %dma_wait3A_31 = arith.constant 0 : i32
    %dma_wait3A_32 = arith.constant 0 : i32
    %dma_wait3A_33 = tpu.memref_slice %arg7[%dma_wait3A, %dma_wait3A_31, %dma_wait3A_32] : memref<2x128x64xf32, #tpu.memory_space<vmem>> -> memref<1x128x64xf32, #tpu.memory_space<vmem>>
    %dma_wait3A_34 = tpu.memref_squeeze %dma_wait3A_33 : memref<1x128x64xf32, #tpu.memory_space<vmem>> -> memref<128x64xf32, #tpu.memory_space<vmem>>
    %dma_wait3A_35 = arith.constant 0 : i32
    %dma_wait3A_36 = arith.constant 0 : i32
    %dma_wait3A_37 = tpu.memref_slice %arg4[%dma_wait3A_35, %dma_wait3A_36] : memref<819200x64xf32, #tpu.memory_space<hbm>> -> memref<128x64xf32, #tpu.memory_space<hbm>>
    %dma_wait3A_38 = arith.constant 0 : i32
    %dma_wait3A_39 = arith.constant 0 : i32
    %dma_wait3A_40 = tpu.memref_slice %arg4[%dma_wait3A_38, %dma_wait3A_39] : memref<819200x64xf32, #tpu.memory_space<hbm>> -> memref<128x64xf32, #tpu.memory_space<hbm>>
    %dma_wait3A_41 = arith.constant 0 : i32
    %dma_wait3A_42 = arith.constant 0 : i32
    %dma_wait3A_43 = tpu.memref_slice %arg7[%dma_wait3A, %dma_wait3A_41, %dma_wait3A_42] : memref<2x128x64xf32, #tpu.memory_space<vmem>> -> memref<1x128x64xf32, #tpu.memory_space<vmem>>
    %dma_wait3A_44 = tpu.memref_squeeze %dma_wait3A_43 : memref<1x128x64xf32, #tpu.memory_space<vmem>> -> memref<128x64xf32, #tpu.memory_space<vmem>>
    tpu.wait_dma2 semaphore(%arg10 : memref<!tpu.dma_semaphore, #tpu.memory_space<semaphore_mem>>) src(%dma_wait3A_44 : memref<128x64xf32, #tpu.memory_space<vmem>>) dst(%dma_wait3A_40 : memref<128x64xf32, #tpu.memory_space<hbm>>)
    %dma_wait3A_45 = arith.constant 1 : i32
    %dma_wait3A_46 = arith.constant 0 : i32
    %dma_wait3A_47 = arith.constant 0 : i32
    %dma_wait3A_48 = tpu.memref_slice %arg7[%dma_wait3A_45, %dma_wait3A_46, %dma_wait3A_47] : memref<2x128x64xf32, #tpu.memory_space<vmem>> -> memref<1x128x64xf32, #tpu.memory_space<vmem>>
    %dma_wait3A_49 = tpu.memref_squeeze %dma_wait3A_48 : memref<1x128x64xf32, #tpu.memory_space<vmem>> -> memref<128x64xf32, #tpu.memory_space<vmem>>
    %dma_wait3A_50 = arith.constant 0 : i32
    %dma_wait3A_51 = arith.constant 0 : i32
    %dma_wait3A_52 = tpu.memref_slice %arg4[%dma_wait3A_50, %dma_wait3A_51] : memref<819200x64xf32, #tpu.memory_space<hbm>> -> memref<128x64xf32, #tpu.memory_space<hbm>>
    %dma_wait3A_53 = arith.constant 0 : i32
    %dma_wait3A_54 = arith.constant 0 : i32
    %dma_wait3A_55 = tpu.memref_slice %arg4[%dma_wait3A_53, %dma_wait3A_54] : memref<819200x64xf32, #tpu.memory_space<hbm>> -> memref<128x64xf32, #tpu.memory_space<hbm>>
    %dma_wait3A_56 = arith.constant 0 : i32
    %dma_wait3A_57 = arith.constant 0 : i32
    %dma_wait3A_58 = tpu.memref_slice %arg7[%dma_wait3A_45, %dma_wait3A_56, %dma_wait3A_57] : memref<2x128x64xf32, #tpu.memory_space<vmem>> -> memref<1x128x64xf32, #tpu.memory_space<vmem>>
    %dma_wait3A_59 = tpu.memref_squeeze %dma_wait3A_58 : memref<1x128x64xf32, #tpu.memory_space<vmem>> -> memref<128x64xf32, #tpu.memory_space<vmem>>
    tpu.wait_dma2 semaphore(%arg11 : memref<!tpu.dma_semaphore, #tpu.memory_space<semaphore_mem>>) src(%dma_wait3A_59 : memref<128x64xf32, #tpu.memory_space<vmem>>) dst(%dma_wait3A_55 : memref<128x64xf32, #tpu.memory_space<hbm>>)
    return
  }
}

</mosaic_0001>

<sc_bundles>
// kernel: kernel.3.cloned.1.call-start
scs
__scs_entry_jumppad:
0x0: {  	(pc) =	sbr.rel $0x88, $3  }
0x1: {  	(tag) =	ssettag $0x0;
	lr =	simm.s32 $0x1  }
0x2: {  	[smem:$0x3F9F] =	sst lr;
	_ =	strace $0xD0000000  }
0x3: {  	_ = 	snop  }
0x4: {  	_ = 	snop  }
0x5: {  	_ = 	snop  }
0x6: {  	_ = 	snop  }
0x7: {  	_ = 	snop  }
__scs_overlays_trampoline_lowered:
0x8: {  	[smem:$0x3FAE] =	sst s0  }
0x9: {  	[smem:$0x3FAF] =	sst s1  }
0xa: {  	[smem:$0x3FB0] =	sst s2  }
0xb: {  	[smem:$0x3FB1] =	sst s3  }
0xc: {  	[smem:$0x3FB2] =	sst s4  }
0xd: {  	[smem:$0x3FB3] =	sst s5  }
0xe: {  	[smem:$0x3FB4] =	sst s6  }
0xf: {  	[smem:$0x3FB5] =	sst s7  }
0x10: {  	[smem:$0x3FB6] =	sst s8  }
0x11: {  	[smem:$0x3FB7] =	sst s9;
	s0 =	simm.s32 @!p0 $0x0  }
0x12: {  	s1 =	sld [smem:$0x3F9D];
	s0 =	simm.s32 @p0 $0x1  }
0x13: {  	[smem:$0x3FB8] =	sst s0;
	s0 =	simm.s32 @!p1 $0x0  }
0x14: {  	s2 =	sld [smem:$0x3F9C];
	s0 =	simm.s32 @p1 $0x1  }
0x15: {  	[smem:$0x3FB9] =	sst s0;
	s0 =	simm.s32 @!p2 $0x0  }
0x16: {  	s3 =	sld [smem:$0x3FDB];
	s0 =	simm.s32 @p2 $0x1  }
0x17: {  	s4 =	simm.s32 $0x1BF5;
	[smem:$0x3FBB] =	sst s0  }
0x18: {  	s0 =	sld [smem:$0x3F9E];
	_ =	swait.ge [sflag:s4], $0x0  }
0x19: {  	s7 =	sld [smem:$0x3F9F]  }
0x1a: {  	s8 =	sadd.s32 $0xFFFFE003, lr  }
0x1b: {  	s9 =	sadd.s32 $0xFFFFFEF7, lr;
	s5 =	simm.s32 $0xFFFFFFFF;
	p2 =	slt.u32 s8, $0xFFFFF086  }
0x1c: {  	p1 =	slt.u32 s9, $0xF7A;
	s5 =	simm.s32 @!p2 $0x0  }
0x1d: {  	s5 =	simm.s32 @p1 $0x1;
	p0 =	seq.s32 s7, s2  }
0x1e: {  	s7 =	smul.u32 @!p0 $0xF7A, s2;
	p2 =	seq.s32 @!p0 s5, $0x0  }
0x1f: {  	s9 =	smul.u32 $0xF7A, s1;
	s8 =	simm.s32 @!p0 $0x1BF5;
	p2 =	por !p2, p0  }
0x20: {  	[sflag:s8] =	ssyncset.s32 @!p0 $0xFFFFF086;
	s6 =	sadd.s32 @!p0 s3, s7;
	s7 =	simm.s32 @!p0 $0x108  }
0x21: {  	s3 =	sadd.s32 s3, s9;
	s6 =	sadd.s32 @!p0 $0x88, s6;
	s7 =	simm.s32 @p2 $0x1082  }
0x22: {  	[simem:s7], [sflag:s8] =	dma.local @!p0 [hbm:s6], $0xF7A  }
0x23: {  	s9 =	sor.u32 $0xD0000000, s2;
	s6 =	simm.s32 $0x108;
	_ =	swait.ge @!p0 [sflag:s8], $0x0  }
0x24: {  	s3 =	sadd.s32 $0x88, s3;
	s6 =	simm.s32 @!p1 $0x1082;
	[sflag:s4] =	ssyncset.s32 $0xFFFFF086  }
0x25: {  	[simem:s6], [sflag:s4] =	dma.local [hbm:s3], $0xF7A  }
0x26: {  	[smem:$0x3F9F] =	sst s1;
	(tag) =	ssettag s2;
	_ =	strace s9  }
0x27: {  	s1 =	sld [smem:$0x3FAF]  }
0x28: {  	s2 =	sld [smem:$0x3FB0]  }
0x29: {  	s4 =	sld [smem:$0x3FB2]  }
0x2a: {  	p0 =	seq.s32 s5, $0x0;
	s5 =	sld [smem:$0x3FB3]  }
0x2b: {  	s6 =	sld [smem:$0x3FB4]  }
0x2c: {  	s7 =	sld [smem:$0x3FB5]  }
0x2d: {  	s3 =	simm.s32 $0x108;
	s8 =	sld [smem:$0x3FB6]  }
0x2e: {  	s3 =	simm.s32 @!p0 $0x1082;
	s9 =	sld [smem:$0x3FB7]  }
0x2f: {  	lr =	sadd.s32 s0, s3;
	s0 =	sld [smem:$0x3FAE]  }
0x30: {  	s3 =	sld [smem:$0x3FB1]  }
0x31: {  	[smem:$0x3FBA] =	sst s10  }
0x32: {  	s10 =	sld [smem:$0x3FB8];
	_ =	sdelay $0x3  }
0x33: {  	p0 =	seq.s32 s10, $0x1;
	s10 =	sld [smem:$0x3FBA];
	_ =	sdelay $0x3  }
0x34: {  	[smem:$0x3FBA] =	sst s10  }
0x35: {  	s10 =	sld [smem:$0x3FB9];
	_ =	sdelay $0x3  }
0x36: {  	p1 =	seq.s32 s10, $0x1;
	s10 =	sld [smem:$0x3FBA];
	_ =	sdelay $0x3  }
0x37: {  	[smem:$0x3FBA] =	sst s10  }
0x38: {  	s10 =	sld [smem:$0x3FBB]  }
0x39: {  	_ = 	snop;
	(pc) =	sbr.ind lr, $3  }
0x3a: {  	_ = 	snop  }
0x3b: {  	_ = 	snop  }
0x3c: {  	p2 =	seq.s32 s10, $0x1;
	s10 =	sld [smem:$0x3FBA]  }
0x3d: {  	_ =	shalt  }
0x3e: {  	_ =	shalt  }
0x3f: {  	_ =	shalt  }
0x40: {  	_ =	shalt  }
0x41: {  	_ =	shalt  }
0x42: {  	_ =	shalt  }
0x43: {  	_ =	shalt  }
0x44: {  	_ =	shalt  }
0x45: {  	_ =	shalt  }
0x46: {  	_ =	shalt  }
0x47: {  	_ =	shalt  }
0x48: {  	_ =	shalt  }
0x49: {  	_ =	shalt  }
0x4a: {  	_ =	shalt  }
0x4b: {  	_ =	shalt  }
0x4c: {  	_ =	shalt  }
0x4d: {  	_ =	shalt  }
0x4e: {  	_ =	shalt  }
0x4f: {  	_ =	shalt  }
0x50: {  	_ =	shalt  }
0x51: {  	_ =	shalt  }
0x52: {  	_ =	shalt  }
0x53: {  	_ =	shalt  }
0x54: {  	_ =	shalt  }
0x55: {  	_ =	shalt  }
0x56: {  	_ =	shalt  }
0x57: {  	_ =	shalt  }
0x58: {  	_ =	shalt  }
0x59: {  	_ =	shalt  }
0x5a: {  	_ =	shalt  }
0x5b: {  	_ =	shalt  }
0x5c: {  	_ =	shalt  }
0x5d: {  	_ =	shalt  }
0x5e: {  	_ =	shalt  }
0x5f: {  	_ =	shalt  }
0x60: {  	_ =	shalt  }
0x61: {  	_ =	shalt  }
0x62: {  	_ =	shalt  }
0x63: {  	_ =	shalt  }
0x64: {  	_ =	shalt  }
0x65: {  	_ =	shalt  }
0x66: {  	_ =	shalt  }
0x67: {  	_ =	shalt  }
0x68: {  	_ =	shalt  }
0x69: {  	_ =	shalt  }
0x6a: {  	_ =	shalt  }
0x6b: {  	_ =	shalt  }
0x6c: {  	_ =	shalt  }
0x6d: {  	_ =	shalt  }
0x6e: {  	_ =	shalt  }
0x6f: {  	_ =	shalt  }
0x70: {  	_ =	shalt  }
0x71: {  	_ =	shalt  }
0x72: {  	_ =	shalt  }
0x73: {  	_ =	shalt  }
0x74: {  	_ =	shalt  }
0x75: {  	_ =	shalt  }
0x76: {  	_ =	shalt  }
0x77: {  	_ =	shalt  }
0x78: {  	_ =	shalt  }
0x79: {  	_ =	shalt  }
0x7a: {  	_ =	shalt  }
0x7b: {  	_ =	shalt  }
0x7c: {  	_ =	shalt  }
0x7d: {  	_ =	shalt  }
0x7e: {  	_ =	shalt  }
0x7f: {  	_ =	shalt  }
0x80: {  	_ =	shalt  }
0x81: {  	_ =	shalt  }
0x82: {  	_ =	shalt  }
0x83: {  	_ =	shalt  }
0x84: {  	_ =	shalt  }
0x85: {  	_ =	shalt  }
0x86: {  	_ =	shalt  }
0x87: {  	_ =	shalt  }
.Lfunc_end0:
.L_simem_size_0:
called_computation.1_lowered:
.L_overlay_start_0:
0x88: {  	s2 =	sld [smem:$0x3FD9]  }
0x89: {  	s3 =	sld [smem:$0x3FFE];
	_ =	sdelay $0x1  }
0x8a: {  	s1 =	srdreg.scid  }
0x8b: {  	s0 =	sand.u32 $0x1, s1  }
0x8c: {  	s16 =	sshll.u32 s0, $0xA;
	s2 =	sadd.s32 s3, s2  }
0x8d: {  	s2 =	sadd.s32 s2, s16  }
0x8e: {  	[smem:$0x3FC6] =	sst s2  }
0x8f: {  	_ = 	snop  }
0x90: {  	(tm) =	ssettm $0x1  }
0x91: {  	s17 =	sld [smem:$0x3FFB];
	_ =	sdelay $0x3  }
0x92: {  	_ =	strace s17  }
0x93: {  	s2 =	sld [smem:$0x3FFC];
	_ =	sdelay $0x3  }
0x94: {  	_ =	strace s2  }
0x95: {  	s2 =	sld [smem:$0x3FFD];
	_ =	sdelay $0x3  }
0x96: {  	_ =	strace s2  }
0x97: {  	_ =	strace $0x8FFFFFFF  }
0x98: {  	s18 =	sld [smem:$0x3FDB];
	_ =	sdelay $0x1  }
0x99: {  	s19 =	simm.s32 $_scs_section_size  }
0x9a: {  	s4 =	simm.s32 $_size__tile_overlayer_lowered;
	s5 =	simm.s32 $_tile_overlayer_lowered  }
0x9b: {  	s22 =	simm.s32 $0x1BFF;
	s21 =	sshll.u32 s5, $0x1;
	s2 =	sadd.s32 s19, s18  }
0x9c: {  	s6 =	simm.s32 $0x0;
	s20 =	sshll.u32 s4, $0x1;
	s4 =	sadd.s32 s21, s2  }
0x9d: {  	[timem:s6], [sflag:s22] =	dma.local [hbm:s4], s20  }
0x9e: {  	_ =	swait.ge [sflag:s22], s20  }
0x9f: {  	s3 =	ssub.s32 $0x0, s20;
	[sflag:s22] =	ssyncset.done $0x0  }
0xa0: {  	[sflag:s22] =	ssyncadd.s32 s3;
	_ =	sdelay $0x1  }
0xa1: {  	s23 =	simm.s32 $0x1B8B  }
0xa2: {  	_ =	swait.ge [sflag:s23], $0x1  }
0xa3: {  	[sflag:s23] =	ssyncset.done $0x0  }
0xa4: {  	s25 =	simm.s32 $0x1B8E;
	s24 =	sld [smem:$0x3FFE];
	[sflag:s23] =	ssyncadd.s32 $0xFFFFFFFF  }
0xa5: {  	s26 =	simm.s32 $execute0_lowered;
	[smem:$0x3FD2] =	sst s25  }
0xa6: {  	s4 =	sshll.u32 s26, $0x1;
	_ =	strace $0x80000046;
	[dreg:$0x1] =	wrdreg $0xFFFFFFFF  }
0xa7: {  	s28 =	simm.s32 $_size_execute0_lowered;
	s2 =	sadd.s32 s2, s4;
	[dreg:$0x0] =	wrdreg $0x0  }
0xa8: {  	s4 =	sshll.u32 s28, $0x1;
	[dreg:$0x2] =	wrdreg s2  }
0xa9: {  	[dreg:$0x3] =	wrdreg s4  }
0xaa: {  	[dreg:$0x4] =	wrdreg $0xC0  }
0xab: {  	_ =	task [dreg:s6], $0x5FFFF  }
0xac: {  	[dreg:$0x1] =	wrdreg $0xFFFFFFFF  }
0xad: {  	[dreg:$0x0] =	wrdreg $0x60  }
0xae: {  	[dreg:$0x2] =	wrdreg s24  }
0xaf: {  	[dreg:$0x3] =	wrdreg $0x9  }
0xb0: {  	_ =	task.clear_ibuf [dreg:s6], $0x4FFFF;
	_ =	strace $0x90000046  }
0xb1: {  	s29 =	simm.s32 $0x9;
	_ =	strace $0x80000048  }
0xb2: {  	_ =	swait.ge [sflag:s29], $0x1  }
0xb3: {  	[sflag:s29] =	ssyncadd.s32 $0xFFFFFFFF  }
0xb4: {  	_ =	strace $0x90000048  }
0xb5: {  	_ =	sfence  }
0xb6: {  	s30 =	sld [smem:$0x0];
	_ =	sdelay $0x2  }
0xb7: {  	s31 =	sshll.u32 s1, $0xD;
	s1 =	sshrl.u32 s1, $0x2  }
0xb8: {  	s3 =	sand.u32 $0x4000, s31;
	s1 =	sadd.s32 s1, s30  }
0xb9: {  	s0 =	sor.u32 s3, s0;
	s1 =	sshll.u32 s1, $0x11  }
0xba: {  	s0 =	sor.u32 s1, s0  }
0xbb: {  	s0 =	sadd.s32 $0x8F2B, s0  }
0xbc: {  	[sflag:s0] =	ssyncadd.remote.s32 $0x1  }
0xbd: {  	_ =	sfence.sel $0xFFFF  }
0xbe: {  	[dreg:$0x0] =	wrdreg $0xFFFFFFFF;
	(pc) =	sbr.abs _section_cstart, $3  }
0xbf: {  	[dreg:$0x1] =	wrdreg $0xFFFFFFFF  }
0xc0: {  	_ =	task.clear_ibuf [dreg:s6], $0x2FFFF;
	_ =	strace $0x9FFFFFFF  }
0xc1: {  	(tm) =	ssettm $0x7FFFFFFF  }
tec
execute0_lowered:
.L_overlay_start_1:
0x0: {  	(tag) =	ssettag $0x1  }
0x1: {  	s1 =	srdreg.scid  }
0x2: {  	s0 =	stileid.u32;
	s4 =	rddreg [dreg:$0x0];
	s2 =	simm.s32 $0x0  }
0x3: {  	s10 =	simm.s32 $0x80;
	s11 =	simm.s32 $0x6400;
	s12 =	simm.s32 $0xA400  }
0x4: {  	s13 =	simm.s32 $0x1;
	s14 =	simm.s32 $0xE400;
	s15 =	simm.s32 $0x2  }
0x5: {  	s16 =	simm.s32 $0x12400;
	s17 =	simm.s32 $0x3;
	s18 =	simm.s32 $0x4  }
0x6: {  	s3 =	sand.u32 $0x1, s1;
	s30 =	sshll.u32 s0, $0x1;
	s1 =	rddreg [dreg:$0x1]  }
0x7: {  	s19 =	simm.s32 $0x0;
	[smem:$0x7FF] =	sst s2;
	s6 =	sor.u32 s3, s30  }
0x8: {  	_ =	strace $0x80000047;
	s7 =	ssub.s32 $0x2, s3;
	s5 =	smul.u32 $0xC80, s6  }
0x9: {  	s3 =	sadd.s32 $0x19800, s4;
	s8 =	sshrl.u32 s7, $0x1;
	s9 =	smul.u32 $0x64000, s6  }
0xa: {  	s7 =	ssub.s32 s7, s8;
	s5 =	sadd.s32 s5, s4;
	s4 =	sadd.s32 $0x1A0200, s4  }
0xb: {  	s6 =	smul.u32 $0x320000, s6;
	s7 =	smax.u32 s7, $0x1;
	s31 =	sadd.s32 s9, s4  }
0xc: {  	s5 =	sadd.s32 $0x800, s5;
	s9 =	simm.s32 $0x5;
	s8 =	sadd.s32 $0x800, s31  }
.LBB2_1:
0xd: {  	[tilespmem:s2], [sflag:$0x5] =	stream.linear.gather [hbm4b:s5+s2], $0x6400, $0x38;
	[tilespmem:$0x16400] =	vst v63  }
0xe: {  	_ =	swait.ge [sflag:s9], $0x6400  }
0xf: {  	[sflag:s9] =	ssyncset.done $0x0  }
0x10: {  	[sflag:s9] =	ssyncadd.s32 $0xFFFF9C00  }
0x11: {  	[tilespmem:s11], [sflag:$0x1] =	stream.indirect.gather [hbm4b:s3+s10], $0x80, s2, s10, $0xb8;
	[tilespmem:$0x16400] =	vst v63  }
0x12: {  	s20 =	simm.s32 $0x0  }
0x13: {  	[tilespmem:s12], [sflag:$0x2] =	stream.indirect.gather [hbm4b:s3+s10], $0x80, s10, s10, $0xb8;
	[tilespmem:$0x16400] =	vst v63  }
.LBB2_2:
0x14: {  	_ =	swait.ge [sflag:s13], $0x4000  }
0x15: {  	p0 =	seq.s32 s20, $0x0;
	[sflag:s13] =	ssyncset.done $0x0  }
0x16: {  	s21 =	simm.s32 @!p0 $0x3;
	[sflag:s13] =	ssyncadd.s32 $0xFFFFC000  }
0x17: {  	_ =	swait.ge @!p0 [sflag:s21], $0x4000  }
0x18: {  	[sflag:s21] =	ssyncset.done @!p0 $0x0  }
0x19: {  	s22 =	simm.s32 $0x0;
	[sflag:s21] =	ssyncadd.s32 @!p0 $0xFFFFC000  }
0x1a: {  	v0 =	vld [tilespmem:s22+$0x67B0]  }
0x1b: {  	v1 =	vld [tilespmem:s22+$0x6400]  }
0x1c: {  	v2 =	vld [tilespmem:s22+$0x6410]  }
0x1d: {  	v3 =	vld [tilespmem:s22+$0x6420]  }
0x1e: {  	v4 =	vld [tilespmem:s22+$0x6430]  }
0x1f: {  	v5 =	vld [tilespmem:s22+$0x6480];
	[tilespmem:s22+$0xE7B0] =	vst v0  }
0x20: {  	[tilespmem:s22+$0xE400] =	vst v1;
	v0 =	vld [tilespmem:s22+$0x6490]  }
0x21: {  	[tilespmem:s22+$0xE410] =	vst v2;
	v1 =	vld [tilespmem:s22+$0x64A0]  }
0x22: {  	[tilespmem:s22+$0xE420] =	vst v3;
	v2 =	vld [tilespmem:s22+$0x64B0]  }
0x23: {  	[tilespmem:s22+$0xE430] =	vst v4;
	v3 =	vld [tilespmem:s22+$0x6500]  }
0x24: {  	[tilespmem:s22+$0xE480] =	vst v5;
	v4 =	vld [tilespmem:s22+$0x6510]  }
0x25: {  	v5 =	vld [tilespmem:s22+$0x6710];
	[tilespmem:s22+$0xE490] =	vst v0  }
0x26: {  	v0 =	vld [tilespmem:s22+$0x6520];
	[tilespmem:s22+$0xE4A0] =	vst v1  }
0x27: {  	v1 =	vld [tilespmem:s22+$0x6530];
	[tilespmem:s22+$0xE4B0] =	vst v2  }
0x28: {  	v2 =	vld [tilespmem:s22+$0x6580];
	[tilespmem:s22+$0xE500] =	vst v3  }
0x29: {  	v3 =	vld [tilespmem:s22+$0x6590];
	[tilespmem:s22+$0xE510] =	vst v4  }
0x2a: {  	v4 =	vld [tilespmem:s22+$0x65A0];
	[tilespmem:s22+$0xE710] =	vst v5  }
0x2b: {  	[tilespmem:s22+$0xE520] =	vst v0;
	v0 =	vld [tilespmem:s22+$0x65B0]  }
0x2c: {  	[tilespmem:s22+$0xE530] =	vst v1;
	v1 =	vld [tilespmem:s22+$0x6600]  }
0x2d: {  	[tilespmem:s22+$0xE580] =	vst v2;
	v2 =	vld [tilespmem:s22+$0x6610]  }
0x2e: {  	[tilespmem:s22+$0xE590] =	vst v3;
	v3 =	vld [tilespmem:s22+$0x6620]  }
0x2f: {  	[tilespmem:s22+$0xE5A0] =	vst v4;
	v4 =	vld [tilespmem:s22+$0x6630]  }
0x30: {  	[tilespmem:s22+$0xE5B0] =	vst v0;
	v0 =	vld [tilespmem:s22+$0x6680]  }
0x31: {  	[tilespmem:s22+$0xE600] =	vst v1;
	v1 =	vld [tilespmem:s22+$0x6690]  }
0x32: {  	[tilespmem:s22+$0xE610] =	vst v2;
	v2 =	vld [tilespmem:s22+$0x66A0]  }
0x33: {  	[tilespmem:s22+$0xE620] =	vst v3;
	v3 =	vld [tilespmem:s22+$0x66B0]  }
0x34: {  	[tilespmem:s22+$0xE630] =	vst v4;
	v4 =	vld [tilespmem:s22+$0x6700]  }
0x35: {  	[tilespmem:s22+$0xE680] =	vst v0;
	v0 =	vld [tilespmem:s22+$0x6720]  }
0x36: {  	[tilespmem:s22+$0xE690] =	vst v1;
	v1 =	vld [tilespmem:s22+$0x6730]  }
0x37: {  	[tilespmem:s22+$0xE6A0] =	vst v2;
	v2 =	vld [tilespmem:s22+$0x6780]  }
0x38: {  	[tilespmem:s22+$0xE6B0] =	vst v3;
	v3 =	vld [tilespmem:s22+$0x6790]  }
0x39: {  	s24 =	simm.s32 $0x400;
	s23 =	simm.s32 $0x2000;
	s21 =	sshll.u32 s20, $0xA;
	[tilespmem:s22+$0xE700] =	vst v4;
	v4 =	vld [tilespmem:s22+$0x67A0]  }
.LBB2_3:
0x3a: {  	p1 =	sne.s32 s23, $0xF000;
	v5 =	vld [tilespmem:s24+$0x67B0];
	[tilespmem:s22+$0xE720] =	vst v0  }
0x3b: {  	v0 =	vld [tilespmem:s24+$0x6400];
	[tilespmem:s22+$0xE730] =	vst v1  }
0x3c: {  	v1 =	vld [tilespmem:s24+$0x6410];
	[tilespmem:s22+$0xE780] =	vst v2  }
0x3d: {  	v2 =	vld [tilespmem:s24+$0x6420];
	[tilespmem:s22+$0xE790] =	vst v3  }
0x3e: {  	v3 =	vld [tilespmem:s24+$0x6430];
	[tilespmem:s22+$0xE7A0] =	vst v4;
	s22 =	smov.u32 s24  }
0x3f: {  	v4 =	vld [tilespmem:s22+$0x6480];
	[tilespmem:s22+$0xE7B0] =	vst v5  }
0x40: {  	[tilespmem:s22+$0xE400] =	vst v0;
	v0 =	vld [tilespmem:s22+$0x6490]  }
0x41: {  	[tilespmem:s22+$0xE410] =	vst v1;
	v1 =	vld [tilespmem:s22+$0x64A0]  }
0x42: {  	[tilespmem:s22+$0xE420] =	vst v2;
	v2 =	vld [tilespmem:s22+$0x64B0]  }
0x43: {  	[tilespmem:s22+$0xE430] =	vst v3;
	v3 =	vld [tilespmem:s22+$0x6500]  }
0x44: {  	[tilespmem:s22+$0xE480] =	vst v4;
	v4 =	vld [tilespmem:s22+$0x6510]  }
0x45: {  	[tilespmem:s22+$0xE490] =	vst v0;
	v0 =	vld [tilespmem:s22+$0x6520]  }
0x46: {  	[tilespmem:s22+$0xE4A0] =	vst v1;
	v1 =	vld [tilespmem:s22+$0x6530]  }
0x47: {  	[tilespmem:s22+$0xE4B0] =	vst v2;
	v2 =	vld [tilespmem:s22+$0x6580]  }
0x48: {  	[tilespmem:s22+$0xE500] =	vst v3;
	v3 =	vld [tilespmem:s22+$0x6590]  }
0x49: {  	[tilespmem:s22+$0xE510] =	vst v4;
	v4 =	vld [tilespmem:s22+$0x65A0]  }
0x4a: {  	[tilespmem:s22+$0xE520] =	vst v0;
	v0 =	vld [tilespmem:s22+$0x65B0]  }
0x4b: {  	[tilespmem:s22+$0xE530] =	vst v1;
	v1 =	vld [tilespmem:s22+$0x6600]  }
0x4c: {  	[tilespmem:s22+$0xE580] =	vst v2;
	v2 =	vld [tilespmem:s22+$0x6610]  }
0x4d: {  	[tilespmem:s22+$0xE590] =	vst v3;
	v3 =	vld [tilespmem:s22+$0x6620]  }
0x4e: {  	[tilespmem:s22+$0xE5A0] =	vst v4;
	v4 =	vld [tilespmem:s22+$0x6630]  }
0x4f: {  	[tilespmem:s22+$0xE5B0] =	vst v0;
	v0 =	vld [tilespmem:s22+$0x6680]  }
0x50: {  	[tilespmem:s22+$0xE600] =	vst v1;
	v1 =	vld [tilespmem:s22+$0x6690]  }
0x51: {  	[tilespmem:s22+$0xE610] =	vst v2;
	v2 =	vld [tilespmem:s22+$0x66A0]  }
0x52: {  	[tilespmem:s22+$0xE620] =	vst v3;
	v3 =	vld [tilespmem:s22+$0x66B0]  }
0x53: {  	[tilespmem:s22+$0xE630] =	vst v4;
	v4 =	vld [tilespmem:s22+$0x6700]  }
0x54: {  	[tilespmem:s22+$0xE680] =	vst v0;
	v5 =	vld [tilespmem:s22+$0x6710]  }
.Ltmp0:
0x55: {  	[tilespmem:s22+$0xE690] =	vst v1;
	v0 =	vld [tilespmem:s22+$0x6720];
	(pc) =	sbr.rel @p1 .LBB2_3-.Ltmp0, $4  }
0x56: {  	[tilespmem:s22+$0xE6A0] =	vst v2;
	v1 =	vld [tilespmem:s22+$0x6730]  }
0x57: {  	[tilespmem:s22+$0xE6B0] =	vst v3;
	v2 =	vld [tilespmem:s22+$0x6780]  }
0x58: {  	[tilespmem:s22+$0xE700] =	vst v4;
	v3 =	vld [tilespmem:s22+$0x6790]  }
0x59: {  	s24 =	sshra.s32 s23, $0x2;
	s23 =	sadd.s32 $0x1000, s23;
	[tilespmem:s22+$0xE710] =	vst v5;
	v4 =	vld [tilespmem:s22+$0x67A0]  }
0x5a: {  	v5 =	vld [tilespmem:s24+$0x67B0];
	[tilespmem:s22+$0xE720] =	vst v0  }
0x5b: {  	v0 =	vld [tilespmem:s24+$0x6400];
	[tilespmem:s22+$0xE730] =	vst v1  }
0x5c: {  	v1 =	vld [tilespmem:s24+$0x6410];
	[tilespmem:s22+$0xE780] =	vst v2  }
0x5d: {  	v2 =	vld [tilespmem:s24+$0x6420];
	[tilespmem:s22+$0xE790] =	vst v3  }
0x5e: {  	v3 =	vld [tilespmem:s24+$0x6430];
	[tilespmem:s22+$0xE7A0] =	vst v4  }
0x5f: {  	v4 =	vld [tilespmem:s24+$0x6480];
	[tilespmem:s24+$0xE7B0] =	vst v5  }
0x60: {  	[tilespmem:s24+$0xE400] =	vst v0;
	v0 =	vld [tilespmem:s24+$0x6490]  }
0x61: {  	[tilespmem:s24+$0xE410] =	vst v1;
	v1 =	vld [tilespmem:s24+$0x64A0]  }
0x62: {  	[tilespmem:s24+$0xE420] =	vst v2;
	v2 =	vld [tilespmem:s24+$0x64B0]  }
0x63: {  	[tilespmem:s24+$0xE430] =	vst v3;
	v3 =	vld [tilespmem:s24+$0x6500]  }
0x64: {  	[tilespmem:s24+$0xE480] =	vst v4;
	v4 =	vld [tilespmem:s24+$0x6510]  }
0x65: {  	[tilespmem:s24+$0xE490] =	vst v0;
	v0 =	vld [tilespmem:s24+$0x6520]  }
0x66: {  	[tilespmem:s24+$0xE4A0] =	vst v1;
	v1 =	vld [tilespmem:s24+$0x6530]  }
0x67: {  	[tilespmem:s24+$0xE4B0] =	vst v2;
	v2 =	vld [tilespmem:s24+$0x6580]  }
0x68: {  	[tilespmem:s24+$0xE500] =	vst v3;
	v3 =	vld [tilespmem:s24+$0x6590]  }
0x69: {  	[tilespmem:s24+$0xE510] =	vst v4;
	v4 =	vld [tilespmem:s24+$0x65A0]  }
0x6a: {  	[tilespmem:s24+$0xE520] =	vst v0;
	v0 =	vld [tilespmem:s24+$0x65B0]  }
0x6b: {  	[tilespmem:s24+$0xE530] =	vst v1;
	v1 =	vld [tilespmem:s24+$0x6600]  }
0x6c: {  	[tilespmem:s24+$0xE580] =	vst v2;
	v2 =	vld [tilespmem:s24+$0x6610]  }
0x6d: {  	[tilespmem:s24+$0xE590] =	vst v3;
	v3 =	vld [tilespmem:s24+$0x6620]  }
0x6e: {  	[tilespmem:s24+$0xE5A0] =	vst v4;
	v4 =	vld [tilespmem:s24+$0x6630]  }
0x6f: {  	[tilespmem:s24+$0xE5B0] =	vst v0;
	v0 =	vld [tilespmem:s24+$0x6680]  }
0x70: {  	[tilespmem:s24+$0xE600] =	vst v1;
	v1 =	vld [tilespmem:s24+$0x6690]  }
0x71: {  	[tilespmem:s24+$0xE610] =	vst v2;
	v2 =	vld [tilespmem:s24+$0x66A0]  }
0x72: {  	[tilespmem:s24+$0xE620] =	vst v3;
	v3 =	vld [tilespmem:s24+$0x66B0]  }
0x73: {  	[tilespmem:s24+$0xE630] =	vst v4;
	v4 =	vld [tilespmem:s24+$0x6700]  }
0x74: {  	[tilespmem:s24+$0xE680] =	vst v0;
	v0 =	vld [tilespmem:s24+$0x6710]  }
0x75: {  	[tilespmem:s24+$0xE690] =	vst v1;
	v1 =	vld [tilespmem:s24+$0x6720]  }
0x76: {  	[tilespmem:s24+$0xE6A0] =	vst v2;
	v2 =	vld [tilespmem:s24+$0x6730]  }
0x77: {  	[tilespmem:s24+$0xE6B0] =	vst v3;
	v3 =	vld [tilespmem:s24+$0x6780]  }
0x78: {  	[tilespmem:s24+$0xE700] =	vst v4;
	v4 =	vld [tilespmem:s24+$0x6790]  }
0x79: {  	[tilespmem:s24+$0xE710] =	vst v0;
	v0 =	vld [tilespmem:s24+$0x67A0]  }
0x7a: {  	[tilespmem:s24+$0xE720] =	vst v1  }
0x7b: {  	[tilespmem:s24+$0xE730] =	vst v2  }
0x7c: {  	p1 =	seq.s32 s20, $0x63;
	[tilespmem:s24+$0xE780] =	vst v3  }
0x7d: {  	s31 =	sshll.u32 s20, $0xF;
	s21 =	sshrl.u32 @!p1 s21, $0x2;
	[tilespmem:s24+$0xE790] =	vst v4  }
0x7e: {  	s23 =	simm.s32 @!p1 $0x80;
	s22 =	sadd.s32 @!p1 $0x100, s21;
	[tilespmem:s24+$0xE7A0] =	vst v0;
	s24 =	simm.s32 @!p1 $0x6400  }
0x7f: {  	[tilespmem:s24], [sflag:$0x1] =	stream.indirect.gather @!p1 [hbm4b:s3+s23], $0x80, s22, s23, $0xb8;
	[tilespmem:$0x16400] =	vst v63  }
0x80: {  	s22 =	sadd.s32 s6, s31  }
0x81: {  	s22 =	sshrl.u32 s22, $0x3  }
0x82: {  	s22 =	sadd.s32 s4, s22  }
0x83: {  	[hbm4b:s22+s2] =	stream.linear.scatter [tilespmem:s14], [sflag:$0x3], $0x4000, $0x38;
	[tilespmem:$0x16400] =	vst v63  }
0x84: {  	_ =	swait.ge [sflag:s15], $0x4000  }
0x85: {  	[sflag:s15] =	ssyncset.done $0x0  }
0x86: {  	s22 =	simm.s32 @!p0 $0x4;
	[sflag:s15] =	ssyncadd.s32 $0xFFFFC000  }
0x87: {  	_ =	swait.ge @!p0 [sflag:s22], $0x4000  }
0x88: {  	[sflag:s22] =	ssyncset.done @!p0 $0x0  }
0x89: {  	[sflag:s22] =	ssyncadd.s32 @!p0 $0xFFFFC000;
	s22 =	simm.s32 $0x0  }
0x8a: {  	v0 =	vld [tilespmem:s22+$0xA7B0]  }
0x8b: {  	v1 =	vld [tilespmem:s22+$0xA400]  }
0x8c: {  	v2 =	vld [tilespmem:s22+$0xA410]  }
0x8d: {  	v3 =	vld [tilespmem:s22+$0xA420]  }
0x8e: {  	v4 =	vld [tilespmem:s22+$0xA430]  }
0x8f: {  	v5 =	vld [tilespmem:s22+$0xA480];
	[tilespmem:s22+$0x127B0] =	vst v0  }
0x90: {  	[tilespmem:s22+$0x12400] =	vst v1;
	v0 =	vld [tilespmem:s22+$0xA490]  }
0x91: {  	[tilespmem:s22+$0x12410] =	vst v2;
	v1 =	vld [tilespmem:s22+$0xA4A0]  }
0x92: {  	[tilespmem:s22+$0x12420] =	vst v3;
	v2 =	vld [tilespmem:s22+$0xA4B0]  }
0x93: {  	[tilespmem:s22+$0x12430] =	vst v4;
	v3 =	vld [tilespmem:s22+$0xA500]  }
0x94: {  	[tilespmem:s22+$0x12480] =	vst v5;
	v4 =	vld [tilespmem:s22+$0xA510]  }
0x95: {  	v5 =	vld [tilespmem:s22+$0xA710];
	[tilespmem:s22+$0x12490] =	vst v0  }
0x96: {  	v0 =	vld [tilespmem:s22+$0xA520];
	[tilespmem:s22+$0x124A0] =	vst v1  }
0x97: {  	v1 =	vld [tilespmem:s22+$0xA530];
	[tilespmem:s22+$0x124B0] =	vst v2  }
0x98: {  	v2 =	vld [tilespmem:s22+$0xA580];
	[tilespmem:s22+$0x12500] =	vst v3  }
0x99: {  	v3 =	vld [tilespmem:s22+$0xA590];
	[tilespmem:s22+$0x12510] =	vst v4  }
0x9a: {  	v4 =	vld [tilespmem:s22+$0xA5A0];
	[tilespmem:s22+$0x12710] =	vst v5  }
0x9b: {  	[tilespmem:s22+$0x12520] =	vst v0;
	v0 =	vld [tilespmem:s22+$0xA5B0]  }
0x9c: {  	[tilespmem:s22+$0x12530] =	vst v1;
	v1 =	vld [tilespmem:s22+$0xA600]  }
0x9d: {  	[tilespmem:s22+$0x12580] =	vst v2;
	v2 =	vld [tilespmem:s22+$0xA610]  }
0x9e: {  	[tilespmem:s22+$0x12590] =	vst v3;
	v3 =	vld [tilespmem:s22+$0xA620]  }
0x9f: {  	[tilespmem:s22+$0x125A0] =	vst v4;
	v4 =	vld [tilespmem:s22+$0xA630]  }
0xa0: {  	[tilespmem:s22+$0x125B0] =	vst v0;
	v0 =	vld [tilespmem:s22+$0xA680]  }
0xa1: {  	[tilespmem:s22+$0x12600] =	vst v1;
	v1 =	vld [tilespmem:s22+$0xA690]  }
0xa2: {  	[tilespmem:s22+$0x12610] =	vst v2;
	v2 =	vld [tilespmem:s22+$0xA6A0]  }
0xa3: {  	[tilespmem:s22+$0x12620] =	vst v3;
	v3 =	vld [tilespmem:s22+$0xA6B0]  }
0xa4: {  	[tilespmem:s22+$0x12630] =	vst v4;
	v4 =	vld [tilespmem:s22+$0xA700]  }
0xa5: {  	[tilespmem:s22+$0x12680] =	vst v0;
	v0 =	vld [tilespmem:s22+$0xA720]  }
0xa6: {  	[tilespmem:s22+$0x12690] =	vst v1;
	v1 =	vld [tilespmem:s22+$0xA730]  }
0xa7: {  	[tilespmem:s22+$0x126A0] =	vst v2;
	v2 =	vld [tilespmem:s22+$0xA780]  }
0xa8: {  	[tilespmem:s22+$0x126B0] =	vst v3;
	v3 =	vld [tilespmem:s22+$0xA790]  }
0xa9: {  	s24 =	simm.s32 $0x400;
	s23 =	simm.s32 $0x2000;
	[tilespmem:s22+$0x12700] =	vst v4;
	v4 =	vld [tilespmem:s22+$0xA7A0]  }
.LBB2_5:
0xaa: {  	p0 =	sne.s32 s23, $0xF000;
	v5 =	vld [tilespmem:s24+$0xA7B0];
	[tilespmem:s22+$0x12720] =	vst v0  }
0xab: {  	v0 =	vld [tilespmem:s24+$0xA400];
	[tilespmem:s22+$0x12730] =	vst v1  }
0xac: {  	v1 =	vld [tilespmem:s24+$0xA410];
	[tilespmem:s22+$0x12780] =	vst v2  }
0xad: {  	v2 =	vld [tilespmem:s24+$0xA420];
	[tilespmem:s22+$0x12790] =	vst v3  }
0xae: {  	v3 =	vld [tilespmem:s24+$0xA430];
	[tilespmem:s22+$0x127A0] =	vst v4;
	s22 =	smov.u32 s24  }
0xaf: {  	v4 =	vld [tilespmem:s22+$0xA480];
	[tilespmem:s22+$0x127B0] =	vst v5  }
0xb0: {  	[tilespmem:s22+$0x12400] =	vst v0;
	v0 =	vld [tilespmem:s22+$0xA490]  }
0xb1: {  	[tilespmem:s22+$0x12410] =	vst v1;
	v1 =	vld [tilespmem:s22+$0xA4A0]  }
0xb2: {  	[tilespmem:s22+$0x12420] =	vst v2;
	v2 =	vld [tilespmem:s22+$0xA4B0]  }
0xb3: {  	[tilespmem:s22+$0x12430] =	vst v3;
	v3 =	vld [tilespmem:s22+$0xA500]  }
0xb4: {  	[tilespmem:s22+$0x12480] =	vst v4;
	v4 =	vld [tilespmem:s22+$0xA510]  }
0xb5: {  	[tilespmem:s22+$0x12490] =	vst v0;
	v0 =	vld [tilespmem:s22+$0xA520]  }
0xb6: {  	[tilespmem:s22+$0x124A0] =	vst v1;
	v1 =	vld [tilespmem:s22+$0xA530]  }
0xb7: {  	[tilespmem:s22+$0x124B0] =	vst v2;
	v2 =	vld [tilespmem:s22+$0xA580]  }
0xb8: {  	[tilespmem:s22+$0x12500] =	vst v3;
	v3 =	vld [tilespmem:s22+$0xA590]  }
0xb9: {  	[tilespmem:s22+$0x12510] =	vst v4;
	v4 =	vld [tilespmem:s22+$0xA5A0]  }
0xba: {  	[tilespmem:s22+$0x12520] =	vst v0;
	v0 =	vld [tilespmem:s22+$0xA5B0]  }
0xbb: {  	[tilespmem:s22+$0x12530] =	vst v1;
	v1 =	vld [tilespmem:s22+$0xA600]  }
0xbc: {  	[tilespmem:s22+$0x12580] =	vst v2;
	v2 =	vld [tilespmem:s22+$0xA610]  }
0xbd: {  	[tilespmem:s22+$0x12590] =	vst v3;
	v3 =	vld [tilespmem:s22+$0xA620]  }
0xbe: {  	[tilespmem:s22+$0x125A0] =	vst v4;
	v4 =	vld [tilespmem:s22+$0xA630]  }
0xbf: {  	[tilespmem:s22+$0x125B0] =	vst v0;
	v0 =	vld [tilespmem:s22+$0xA680]  }
0xc0: {  	[tilespmem:s22+$0x12600] =	vst v1;
	v1 =	vld [tilespmem:s22+$0xA690]  }
0xc1: {  	[tilespmem:s22+$0x12610] =	vst v2;
	v2 =	vld [tilespmem:s22+$0xA6A0]  }
0xc2: {  	[tilespmem:s22+$0x12620] =	vst v3;
	v3 =	vld [tilespmem:s22+$0xA6B0]  }
0xc3: {  	[tilespmem:s22+$0x12630] =	vst v4;
	v4 =	vld [tilespmem:s22+$0xA700]  }
0xc4: {  	[tilespmem:s22+$0x12680] =	vst v0;
	v5 =	vld [tilespmem:s22+$0xA710]  }
.Ltmp1:
0xc5: {  	[tilespmem:s22+$0x12690] =	vst v1;
	v0 =	vld [tilespmem:s22+$0xA720];
	(pc) =	sbr.rel @p0 .LBB2_5-.Ltmp1, $4  }
0xc6: {  	[tilespmem:s22+$0x126A0] =	vst v2;
	v1 =	vld [tilespmem:s22+$0xA730]  }
0xc7: {  	[tilespmem:s22+$0x126B0] =	vst v3;
	v2 =	vld [tilespmem:s22+$0xA780]  }
0xc8: {  	[tilespmem:s22+$0x12700] =	vst v4;
	v3 =	vld [tilespmem:s22+$0xA790]  }
0xc9: {  	s24 =	sshra.s32 s23, $0x2;
	s23 =	sadd.s32 $0x1000, s23;
	[tilespmem:s22+$0x12710] =	vst v5;
	v4 =	vld [tilespmem:s22+$0xA7A0]  }
0xca: {  	v5 =	vld [tilespmem:s24+$0xA7B0];
	[tilespmem:s22+$0x12720] =	vst v0  }
0xcb: {  	v0 =	vld [tilespmem:s24+$0xA400];
	[tilespmem:s22+$0x12730] =	vst v1  }
0xcc: {  	v1 =	vld [tilespmem:s24+$0xA410];
	[tilespmem:s22+$0x12780] =	vst v2  }
0xcd: {  	v2 =	vld [tilespmem:s24+$0xA420];
	[tilespmem:s22+$0x12790] =	vst v3  }
0xce: {  	v3 =	vld [tilespmem:s24+$0xA430];
	[tilespmem:s22+$0x127A0] =	vst v4  }
0xcf: {  	v4 =	vld [tilespmem:s24+$0xA480];
	[tilespmem:s24+$0x127B0] =	vst v5  }
0xd0: {  	v38 =	vld [tilespmem:s24+$0xA490];
	[tilespmem:s24+$0x12400] =	vst v0  }
0xd1: {  	v39 =	vld [tilespmem:s24+$0xA4A0];
	[tilespmem:s24+$0x12410] =	vst v1  }
0xd2: {  	v40 =	vld [tilespmem:s24+$0xA4B0];
	[tilespmem:s24+$0x12420] =	vst v2  }
0xd3: {  	v41 =	vld [tilespmem:s24+$0xA500];
	[tilespmem:s24+$0x12430] =	vst v3  }
0xd4: {  	v42 =	vld [tilespmem:s24+$0xA510];
	[tilespmem:s24+$0x12480] =	vst v4  }
0xd5: {  	v43 =	vld [tilespmem:s24+$0xA520];
	[tilespmem:s24+$0x12490] =	vst v38  }
0xd6: {  	v44 =	vld [tilespmem:s24+$0xA530];
	[tilespmem:s24+$0x124A0] =	vst v39  }
0xd7: {  	v45 =	vld [tilespmem:s24+$0xA580];
	[tilespmem:s24+$0x124B0] =	vst v40  }
0xd8: {  	v46 =	vld [tilespmem:s24+$0xA590];
	[tilespmem:s24+$0x12500] =	vst v41  }
0xd9: {  	v47 =	vld [tilespmem:s24+$0xA5A0];
	[tilespmem:s24+$0x12510] =	vst v42  }
0xda: {  	v48 =	vld [tilespmem:s24+$0xA5B0];
	[tilespmem:s24+$0x12520] =	vst v43  }
0xdb: {  	v49 =	vld [tilespmem:s24+$0xA600];
	[tilespmem:s24+$0x12530] =	vst v44  }
0xdc: {  	v50 =	vld [tilespmem:s24+$0xA610];
	[tilespmem:s24+$0x12580] =	vst v45  }
0xdd: {  	v51 =	vld [tilespmem:s24+$0xA620];
	[tilespmem:s24+$0x12590] =	vst v46  }
0xde: {  	v52 =	vld [tilespmem:s24+$0xA630];
	[tilespmem:s24+$0x125A0] =	vst v47  }
0xdf: {  	v53 =	vld [tilespmem:s24+$0xA680];
	[tilespmem:s24+$0x125B0] =	vst v48  }
0xe0: {  	v54 =	vld [tilespmem:s24+$0xA690];
	[tilespmem:s24+$0x12600] =	vst v49  }
0xe1: {  	v55 =	vld [tilespmem:s24+$0xA6A0];
	[tilespmem:s24+$0x12610] =	vst v50  }
0xe2: {  	v56 =	vld [tilespmem:s24+$0xA6B0];
	[tilespmem:s24+$0x12620] =	vst v51  }
0xe3: {  	v57 =	vld [tilespmem:s24+$0xA700];
	[tilespmem:s24+$0x12630] =	vst v52  }
0xe4: {  	v58 =	vld [tilespmem:s24+$0xA710];
	[tilespmem:s24+$0x12680] =	vst v53  }
0xe5: {  	v59 =	vld [tilespmem:s24+$0xA720];
	[tilespmem:s24+$0x12690] =	vst v54  }
0xe6: {  	v60 =	vld [tilespmem:s24+$0xA730];
	[tilespmem:s24+$0x126A0] =	vst v55  }
0xe7: {  	v61 =	vld [tilespmem:s24+$0xA780];
	[tilespmem:s24+$0x126B0] =	vst v56  }
0xe8: {  	v62 =	vld [tilespmem:s24+$0xA790];
	[tilespmem:s24+$0x12700] =	vst v57  }
0xe9: {  	v63 =	vld [tilespmem:s24+$0xA7A0];
	[tilespmem:s24+$0x12710] =	vst v58  }
0xea: {  	[tilespmem:s24+$0x12720] =	vst v59  }
0xeb: {  	s31 =	sshll.u32 s20, $0xC;
	s20 =	sadd.s32 $0x1, s20;
	[tilespmem:s24+$0x12730] =	vst v60  }
0xec: {  	p0 =	sne.s32 s20, $0x64;
	[tilespmem:s24+$0x12780] =	vst v61  }
.Ltmp2:
0xed: {  	[tilespmem:s24+$0x12790] =	vst v62;
	(pc) =	sbr.rel @p0 .LBB2_2-.Ltmp2, $4  }
0xee: {  	s21 =	sadd.s32 @!p1 $0x180, s21;
	s23 =	simm.s32 @!p1 $0xA400;
	s22 =	simm.s32 @!p1 $0x80;
	[tilespmem:s24+$0x127A0] =	vst v63  }
0xef: {  	[tilespmem:s23], [sflag:$0x2] =	stream.indirect.gather @!p1 [hbm4b:s3+s22], $0x80, s21, s22, $0xb8;
	[tilespmem:$0x16400] =	vst v63  }
0xf0: {  	s21 =	sadd.s32 s8, s31  }
0xf1: {  	[hbm4b:s21+s2] =	stream.linear.scatter [tilespmem:s16], [sflag:$0x4], $0x4000, $0x38;
	[tilespmem:$0x16400] =	vst v63  }
0xf2: {  	s19 =	sadd.s32 $0x1, s19  }
0xf3: {  	_ =	swait.ge [sflag:s17], $0x4000;
	p0 =	sne.s32 s19, s7  }
.Ltmp3:
0xf4: {  	[sflag:s17] =	ssyncset.done $0x0;
	(pc) =	sbr.rel @p0 .LBB2_1-.Ltmp3, $4  }
0xf5: {  	[sflag:s17] =	ssyncadd.s32 $0xFFFFC000  }
0xf6: {  	_ =	swait.ge [sflag:s18], $0x4000  }
0xf7: {  	[sflag:s18] =	ssyncset.done $0x0  }
0xf8: {  	[sflag:s18] =	ssyncadd.s32 $0xFFFFC000  }
0xf9: {  	_ =	sfence.sel $0x180000  }
0xfa: {  	[bflag:$0x0] =	sbarrier.arrive $0xFFFF  }
0xfb: {  	p0 =	sne.s32 s0, $0x0;
	_ =	strace $0x90000047  }
0xfc: {  	s0 =	sadd.s32 @!p0 $0x100000, s1;
	[bflag:$0x2] =	sbarrier.arrive $0xFFFF  }
0xfd: {  	[sflag:s0] =	ssyncadd.tile.s32 @!p0 $0x1;
	_ =	shalt  }
.Lfunc_end2:
_tile_overlayer_lowered:
.L_overlay_start_2:
0xfe: {  	(tag) =	ssettag $0x2  }
0xff: {  	s0 =	rddreg [dreg:$0x0];
	s2 =	stileid.u32  }
0x100: {  	s1 =	rddreg [dreg:$0x1];
	p0 =	sne.s32 s2, $0x0  }
0x101: {  	s3 =	rddreg [dreg:$0x2];
	[bflag:$0x3] =	sbarrier.arrive $0xFFFF;
	s2 =	simm.s32 @!p0 $0x1C05  }
0x102: {  	[timem:s3], [sflag:s2] =	dma.local @!p0 [hbm:s0], s1  }
0x103: {  	s0 =	simm.s32 @!p0 $0x5  }
0x104: {  	_ =	swait.ge @!p0 [sflag:s0], s1  }
0x105: {  	s1 =	ssub.s32 @!p0 $0x0, s1;
	[sflag:s0] =	ssyncset.done @!p0 $0x0  }
0x106: {  	[sflag:s0] =	ssyncadd.s32 @!p0 s1  }
0x107: {  	[bflag:$0x3] =	sbarrier.arrive $0xFFFF  }
0x108: {  	_ =	shalt  }

// kernel: sparse-core-data-format-call.cloned.1.call-start
scs
called_computation_lowered:
.L_overlay_start_0:
0x0: {  	s2 =	sld [smem:$0x3FD9]  }
0x1: {  	s3 =	sld [smem:$0x3FFE];
	_ =	sdelay $0x1  }
0x2: {  	s1 =	srdreg.scid  }
0x3: {  	s0 =	sand.u32 $0x1, s1  }
0x4: {  	s18 =	sshll.u32 s0, $0xA;
	s2 =	sadd.s32 s3, s2  }
0x5: {  	s2 =	sadd.s32 s2, s18  }
0x6: {  	[smem:$0x3FC6] =	sst s2  }
0x7: {  	_ = 	snop  }
0x8: {  	s2 =	sld [smem:$0x3FD0];
	(tm) =	ssettm $0x1  }
0x9: {  	s19 =	sld [smem:$0x3FFB];
	_ =	sdelay $0x3  }
0xa: {  	_ =	strace s19  }
0xb: {  	s3 =	sld [smem:$0x3FFC];
	_ =	sdelay $0x3  }
0xc: {  	_ =	strace s3  }
0xd: {  	s3 =	sld [smem:$0x3FFD];
	_ =	sdelay $0x3  }
0xe: {  	_ =	strace s3  }
0xf: {  	_ =	strace $0x8FFFFFFF  }
0x10: {  	s20 =	sld [smem:$0x3FDB];
	_ =	sdelay $0x1  }
0x11: {  	s4 =	simm.s32 $_scs_section_size  }
0x12: {  	s5 =	simm.s32 $_size__tile_overlayer_lowered;
	s6 =	simm.s32 $_tile_overlayer_lowered  }
0x13: {  	s23 =	simm.s32 $0x1BFF;
	s22 =	sshll.u32 s6, $0x1;
	s3 =	sadd.s32 s4, s20  }
0x14: {  	s7 =	simm.s32 $0x0;
	s21 =	sshll.u32 s5, $0x1;
	s5 =	sadd.s32 s22, s3  }
0x15: {  	[timem:s7], [sflag:s23] =	dma.local [hbm:s5], s21  }
0x16: {  	_ =	swait.ge [sflag:s23], s21  }
0x17: {  	s4 =	ssub.s32 $0x0, s21;
	[sflag:s23] =	ssyncset.done $0x0  }
0x18: {  	[sflag:s23] =	ssyncadd.s32 s4;
	_ =	sdelay $0x1  }
0x19: {  	s24 =	simm.s32 $0x1B8B  }
0x1a: {  	_ =	swait.ge [sflag:s24], $0x1  }
0x1b: {  	[sflag:s24] =	ssyncset.done $0x0  }
0x1c: {  	s26 =	simm.s32 $0x1B8E;
	s25 =	sld [smem:$0x3FFE];
	[sflag:s24] =	ssyncadd.s32 $0xFFFFFFFF  }
0x1d: {  	s27 =	simm.s32 $execute0_lowered;
	[smem:$0x3FD2] =	sst s26  }
0x1e: {  	s5 =	sshll.u32 s27, $0x1;
	_ =	strace $0x80000049;
	[dreg:$0x1] =	wrdreg $0xFFFFFFFF  }
0x1f: {  	s28 =	simm.s32 $_size_execute0_lowered;
	s3 =	sadd.s32 s3, s5;
	[dreg:$0x0] =	wrdreg $0x0  }
0x20: {  	s5 =	sshll.u32 s28, $0x1;
	[dreg:$0x2] =	wrdreg s3  }
0x21: {  	[dreg:$0x3] =	wrdreg s5  }
0x22: {  	[dreg:$0x4] =	wrdreg $0xC0  }
0x23: {  	_ =	task [dreg:s7], $0x5FFFF  }
0x24: {  	[dreg:$0x1] =	wrdreg $0xFFFFFFFF  }
0x25: {  	[dreg:$0x0] =	wrdreg $0x60  }
0x26: {  	[dreg:$0x2] =	wrdreg s25  }
0x27: {  	[dreg:$0x3] =	wrdreg s2  }
0x28: {  	[dreg:$0x4] =	wrdreg $0x9  }
0x29: {  	_ =	task.clear_ibuf [dreg:s7], $0x5FFFF;
	_ =	strace $0x90000049  }
0x2a: {  	s29 =	simm.s32 $0x9;
	_ =	strace $0x8000004B  }
0x2b: {  	_ =	swait.ge [sflag:s29], $0x1  }
0x2c: {  	[sflag:s29] =	ssyncadd.s32 $0xFFFFFFFF  }
0x2d: {  	_ =	strace $0x9000004B  }
0x2e: {  	_ =	sfence  }
0x2f: {  	s30 =	sld [smem:$0x0];
	_ =	sdelay $0x2  }
0x30: {  	s31 =	sshll.u32 s1, $0xD;
	s1 =	sshrl.u32 s1, $0x2  }
0x31: {  	s3 =	sand.u32 $0x4000, s31;
	s1 =	sadd.s32 s1, s30  }
0x32: {  	s0 =	sor.u32 s3, s0;
	s1 =	sshll.u32 s1, $0x11  }
0x33: {  	s0 =	sor.u32 s1, s0  }
0x34: {  	s0 =	sadd.s32 $0x8F2B, s0  }
0x35: {  	[sflag:s0] =	ssyncadd.remote.s32 $0x1  }
0x36: {  	_ =	sfence.sel $0xFFFF  }
0x37: {  	[dreg:$0x0] =	wrdreg $0xFFFFFFFF;
	(pc) =	sbr.abs _section_cstart, $3  }
0x38: {  	[dreg:$0x1] =	wrdreg $0xFFFFFFFF  }
0x39: {  	_ =	task.clear_ibuf [dreg:s7], $0x2FFFF;
	_ =	strace $0x9FFFFFFF  }
0x3a: {  	(tm) =	ssettm $0x7FFFFFFF  }
0x3b: {  	_ =	shalt  }
tec
execute0_lowered:
.L_overlay_start_1:
0x0: {  	(tag) =	ssettag $0x1  }
0x1: {  	s0 =	srdreg.scid  }
0x2: {  	s1 =	sshll.u32 s0, $0x4  }
0x3: {  	s0 =	stileid.u32;
	s1 =	sand.u32 $0x10, s1  }
0x4: {  	s1 =	sor.u32 s0, s1  }
0x5: {  	s6 =	rddreg [dreg:$0x0];
	s4 =	simm.s32 $0x1;
	s2 =	sshll.u32 s1, $0x7  }
0x6: {  	s7 =	simm.s32 $0x2;
	s12 =	simm.s32 $0x0;
	s1 =	ssub.s32 $0x1000, s2  }
0x7: {  	s8 =	simm.s32 $0x8000;
	s13 =	simm.s32 $0x0;
	s3 =	sand.u32 $0xF80, s1  }
0x8: {  	s9 =	simm.s32 $0x0;
	s5 =	sshrl.u32 s1, $0xC;
	p0 =	sne.s32 s3, $0x0  }
.Ltmp0:
0x9: {  	s1 =	rddreg [dreg:$0x2];
	s4 =	simm.s32 @!p0 $0x0;
	(pc) =	sbr.rel .LBB1_1-.Ltmp0, $4  }
0xa: {  	s11 =	simm.s32 $0x0;
	s3 =	rddreg [dreg:$0x1];
	s5 =	sadd.s32 s4, s5  }
0xb: {  	_ =	strace $0x8000004A;
	s4 =	simm.s32 $0x1;
	s5 =	smul.u32 $0xC8, s5  }
0xc: {  	s6 =	sadd.s32 $0x1A0200, s6;
	s10 =	smov.u32 s2;
	[sflag:s4] =	ssyncpa.u1 $0x0  }
0xd: {  	p0 =	por $0x0, $0x0;
	[sflag:s7] =	ssyncpa.u1 $0x0;
	s7 =	sor.u32 $0x1, s5  }
.LBB1_4:
0xe: {  	s16 =	sshll.u32 s13, $0x3;
	s17 =	sand.u32 $0x78, s13  }
0xf: {  	s30 =	sand.u32 $0x7E00, s13;
	s12 =	sshll.u32 s12, $0xF;
	s16 =	sand.u32 $0xC00, s16  }
0x10: {  	[tilespmem:s15+$0x810 ss:$0x81] =	vst.msk $0xffff, v2;
	s31 =	sand.u32 $0x7, s13;
	s16 =	sor.u32 s17, s16;
	s17 =	sadd.s32 s3, s30  }
0x11: {  	[tilespmem:s15+$0x1020 ss:$0x81] =	vst.msk $0xffff, v0;
	s13 =	sshll.u32 s31, $0x12;
	s12 =	sadd.s32 s12, s17;
	s16 =	sshrl.u32 s16, $0x3  }
0x12: {  	[tilespmem:s15+$0x0 ss:$0x81] =	vst.msk $0xffff, v1;
	s13 =	sor.u32 $0x400, s13;
	s12 =	sadd.s32 s16, s12  }
0x13: {  	[hbm4b:s12+s13] =	stream.strided.scatter [tilespmem:s14], [sflag:$0x2], $0x2000, s8, s13, $0x20;
	[tilespmem:$0x8080] =	vst v63  }
.LBB1_5:
0x14: {  	s14 =	sadd.s32 $0x1, s9  }
0x15: {  	s12 =	sadd.s32 $0x1000, s10;
	s16 =	smov.u32 s10;
	p2 =	sgt.s32 s14, $0xC7  }
0x16: {  	s16 =	smov.u32 @p2 s12  }
0x17: {  	s14 =	simm.s32 @p2 $0x0;
	p2 =	sgt.s32 s16, $0xFFF  }
0x18: {  	s16 =	smov.u32 @p2 s2;
	p2 =	sne.s32 s11, s7  }
.Ltmp1:
0x19: {  	p1 =	slt.u32 s11, $0x2;
	(pc) =	sbr.rel @!p2 .LBB1_6-.Ltmp1, $4  }
0x1a: {  	s15 =	simm.s32 @!p1 $0x2  }
0x1b: {  	s13 =	smov.u32 s10;
	p0 =	por !p0, !p0;
	_ =	swait.ge @!p1 [sflag:s15], $0x2000  }
0x1c: {  	s12 =	smov.u32 s9;
	[sflag:s15] =	ssyncset.done @!p1 $0x0;
	s9 =	smov.u32 s14  }
0x1d: {  	s11 =	sadd.s32 $0x1, s11;
	[sflag:s15] =	ssyncadd.s32 @!p1 $0xFFFFE000;
	s10 =	smov.u32 s16  }
.LBB1_1:
0x1e: {  	p1 =	sge.u32 s11, s5  }
0x1f: {  	s14 =	sand.u32 @!p1 $0x1FFFFFF, s9  }
0x20: {  	s15 =	smulhi.u32 @!p1 $0x147AE15, s14;
	_ =	sdelay $0x1  }
0x21: {  	s15 =	smul.u32 @!p1 $0xC8, s15  }
0x22: {  	s16 =	sxor.u32 @!p1 $0xFFFFFFFF, s11;
	s17 =	smul.u32 @!p1 $0xC80, s10  }
0x23: {  	s31 =	sadd.s32 $0xFFFFFFFF, s11;
	s16 =	sshll.u32 @!p1 s16, $0xD;
	s14 =	ssub.s32 @!p1 s14, s15  }
0x24: {  	s15 =	sand.u32 @!p1 $0x2000, s16;
	s16 =	sadd.s32 @!p1 s6, s17;
	s14 =	sshll.u32 @!p1 s14, $0x4  }
0x25: {  	s17 =	simm.s32 @!p1 $0x6400;
	s14 =	sadd.s32 @!p1 s14, s16;
	s16 =	simm.s32 @!p1 $0x40  }
0x26: {  	[tilespmem:s15], [sflag:$0x1] =	stream.strided.gather @!p1 [hbm4b:s14+s16], $0x2000, s17, s16, $0x38;
	[tilespmem:$0x8080] =	vst v63  }
0x27: {  	p1 =	sge.u32 s31, s5  }
.Ltmp2:
0x28: {  	_ = 	snop;
	(pc) =	sbr.rel @p1 .LBB1_5-.Ltmp2, $1  }
0x29: {  	_ =	sdelay $0x3  }
0x2a: {  	s14 =	simm.s32 $0x1  }
0x2b: {  	_ =	swait.ge [sflag:s4], $0x2000;
	s14 =	simm.s32 @!p0 $0x0  }
0x2c: {  	[sflag:s4] =	ssyncset.done $0x0;
	s15 =	sshll.u32 s14, $0xD  }
0x2d: {  	[sflag:s4] =	ssyncadd.s32 $0xFFFFE000;
	s18 =	sor.u32 $0x20, s15  }
0x2e: {  	s14 =	smul.u32 $0x8100, s14;
	v3 =	vld [tilespmem:s18+$0x10]  }
0x2f: {  	s30 =	sand.u32 $0x1, s11;
	v2 =	vld [tilespmem:s18+$0xFFFFFFF0]  }
0x30: {  	s15 =	smul.u32 $0x8100, s30;
	s14 =	sshrl.u32 s14, $0x2;
	v0 =	vld [tilespmem:s18+$0x0]  }
0x31: {  	v1 =	vld [tilespmem:s18+$0xFFFFFFE0];
	s16 =	sor.u32 $0x4000, s14  }
0x32: {  	s31 =	sshrl.u32 s15, $0x2;
	s15 =	sadd.s32 $0x0, s16  }
0x33: {  	s17 =	simm.s32 $0x4;
	s18 =	sadd.s32 $0x40, s18;
	s14 =	sor.u32 $0x4000, s31;
	[tilespmem:s15+$0x1830 ss:$0x81] =	vst.msk $0xffff, v3  }
.LBB1_3:
0x34: {  	v3 =	vld [tilespmem:s18+$0x10];
	p1 =	sne.s32 s17, $0x1FC;
	[tilespmem:s15+$0x810 ss:$0x81] =	vst.msk $0xffff, v2;
	s19 =	smov.u32 s17;
	s17 =	sadd.s32 $0x4, s17  }
.Ltmp3:
0x35: {  	v2 =	vld [tilespmem:s18+$0xFFFFFFF0];
	[tilespmem:s15+$0x1020 ss:$0x81] =	vst.msk $0xffff, v0;
	(pc) =	sbr.rel @p1 .LBB1_3-.Ltmp3, $4  }
0x36: {  	v0 =	vld [tilespmem:s18+$0x0];
	[tilespmem:s15+$0x0 ss:$0x81] =	vst.msk $0xffff, v1  }
0x37: {  	s15 =	sshra.s32 s19, $0x2;
	v1 =	vld [tilespmem:s18+$0xFFFFFFE0]  }
0x38: {  	s15 =	sadd.s32 s15, s16  }
0x39: {  	s18 =	sadd.s32 $0x40, s18;
	[tilespmem:s15+$0x1830 ss:$0x81] =	vst.msk $0xffff, v3  }
.Ltmp4:
0x3a: {  	_ = 	snop;
	(pc) =	sbr.rel .LBB1_4-.Ltmp4, $1  }
0x3b: {  	_ =	sdelay $0x3  }
.LBB1_6:
0x3c: {  	_ =	sfence.sel $0x180000  }
0x3d: {  	s2 =	simm.s32 $0x1;
	[bflag:$0x0] =	sbarrier.arrive $0xFFFF  }
0x3e: {  	s31 =	simm.s32 $0x2;
	[sflag:s2] =	ssyncpa.u1 $0x1  }
0x3f: {  	[sflag:s31] =	ssyncpa.u1 $0x1  }
0x40: {  	p0 =	sne.s32 s0, $0x0;
	_ =	strace $0x9000004A  }
0x41: {  	s0 =	sadd.s32 @!p0 $0x100000, s1;
	[bflag:$0x2] =	sbarrier.arrive $0xFFFF  }
0x42: {  	[sflag:s0] =	ssyncadd.tile.s32 @!p0 $0x1;
	_ =	shalt  }
.Lfunc_end1:
_tile_overlayer_lowered:
.L_overlay_start_2:
0x43: {  	(tag) =	ssettag $0x2  }
0x44: {  	s0 =	rddreg [dreg:$0x0];
	s2 =	stileid.u32  }
0x45: {  	s1 =	rddreg [dreg:$0x1];
	p0 =	sne.s32 s2, $0x0  }
0x46: {  	s3 =	rddreg [dreg:$0x2];
	[bflag:$0x3] =	sbarrier.arrive $0xFFFF;
	s2 =	simm.s32 @!p0 $0x1C01  }
0x47: {  	[timem:s3], [sflag:s2] =	dma.local @!p0 [hbm:s0], s1  }
0x48: {  	s0 =	simm.s32 @!p0 $0x1  }
0x49: {  	_ =	swait.ge @!p0 [sflag:s0], s1  }
0x4a: {  	s1 =	ssub.s32 @!p0 $0x0, s1;
	[sflag:s0] =	ssyncset.done @!p0 $0x0  }
0x4b: {  	[sflag:s0] =	ssyncadd.s32 @!p0 s1  }
0x4c: {  	[bflag:$0x3] =	sbarrier.arrive $0xFFFF  }
0x4d: {  	_ =	shalt  }

</sc_bundles>
